<compile_context>
chip_gen: v7x
topology: tpu7x:2x2x1
jax: 0.10.2.dev20260603
libtpu: 0.0.44.dev20260713+nightly
codegen_flags: <defaults>
</compile_context>

<pallas_src>
import functools

import jax
import jax.numpy as jnp
from jax import lax
from jax.experimental import pallas as pl
from jax.experimental.pallas import tpu as pltpu
from jax.experimental.pallas import tpu_sc as plsc

_NC = 2
_NS = 16
_NW = _NC * _NS


def _make_bulk_copy(n, d):
    rows_per_w = (n // _NW) // 8 * 8
    rem = n - rows_per_w * _NW
    chunk = 120
    nsteps = rows_per_w // chunk
    assert rows_per_w % chunk == 0 and rem % 8 == 0
    mesh = plsc.VectorSubcoreMesh(core_axis_name="c", subcore_axis_name="s")

    @functools.partial(
        pl.kernel,
        out_type=jax.ShapeDtypeStruct((n, d), jnp.float32),
        mesh=mesh,
        scratch_types=[
            pltpu.VMEM((2, chunk, d), jnp.float32),
            pltpu.SemaphoreType.DMA,
            pltpu.SemaphoreType.DMA,
        ],
    )
    def bulk_copy(x_hbm, out_hbm, buf, rsem, wsem):
        wid = lax.axis_index("s") * _NC + lax.axis_index("c")
        base = wid * rows_per_w

        def src_sl(i):
            return x_hbm.at[pl.ds(base + i * chunk, chunk)]

        def dst_sl(i):
            return out_hbm.at[pl.ds(base + i * chunk, chunk)]

        pltpu.async_copy(src_sl(0), buf.at[0], rsem)

        def step(i, carry):
            p = i % 2
            pltpu.make_async_copy(src_sl(i), buf.at[p], rsem).wait()

            @pl.when(i >= 1)
            def _():
                pltpu.make_async_copy(buf.at[1 - p], dst_sl(i - 1), wsem).wait()

            @pl.when(i + 1 < nsteps)
            def _():
                pltpu.async_copy(src_sl(i + 1), buf.at[1 - p], rsem)

            pltpu.async_copy(buf.at[p], dst_sl(i), wsem)
            return carry

        lax.fori_loop(0, nsteps, step, 0)
        last = nsteps - 1
        pltpu.make_async_copy(buf.at[last % 2], dst_sl(last), wsem).wait()

        @pl.when(wid == 0)
        def _():
            tail_base = rows_per_w * _NW
            h1 = min(chunk, rem)
            pltpu.sync_copy(x_hbm.at[pl.ds(tail_base, h1)], buf.at[0, pl.ds(0, h1)])
            pltpu.sync_copy(buf.at[0, pl.ds(0, h1)], out_hbm.at[pl.ds(tail_base, h1)])
            if rem > chunk:
                h2 = rem - chunk
                pltpu.sync_copy(
                    x_hbm.at[pl.ds(tail_base + h1, h2)], buf.at[1, pl.ds(0, h2)]
                )
                pltpu.sync_copy(
                    buf.at[1, pl.ds(0, h2)], out_hbm.at[pl.ds(tail_base + h1, h2)]
                )

    return bulk_copy


def _make_patch(n, d, tok_chunks, noise_chunk):
    mesh = plsc.VectorSubcoreMesh(core_axis_name="c", subcore_axis_name="s")

    @functools.partial(
        pl.kernel,
        out_type=(),
        mesh=mesh,
        scratch_types=[
            pltpu.VMEM((64, d), jnp.float32),
            pltpu.VMEM((tok_chunks, 64), jnp.int32),
            pltpu.VMEM((noise_chunk,), jnp.int32),
            pltpu.VMEM((noise_chunk,), jnp.int32),
            pltpu.VMEM((noise_chunk, d), jnp.float32),
            pltpu.SemaphoreType.DMA,
            pltpu.SemaphoreType.DMA,
        ],
    )
    def patch(x_hbm, mrep_hbm, tok_hbm, nsrc_hbm, ndst_hbm, out_ref,
              mrep_v, tidx_v, nsrc_v, ndst_v, rows_v, sem, tsem):
        wid = lax.axis_index("s") * _NC + lax.axis_index("c")

        pltpu.sync_copy(mrep_hbm, mrep_v)
        pltpu.sync_copy(tok_hbm.at[wid], tidx_v)

        for j in range(tok_chunks):
            pltpu.async_copy(mrep_v, out_ref.at[tidx_v.at[j]], tsem)

        base = wid * noise_chunk
        pltpu.sync_copy(nsrc_hbm.at[pl.ds(base, noise_chunk)], nsrc_v)
        pltpu.sync_copy(ndst_hbm.at[pl.ds(base, noise_chunk)], ndst_v)
        pltpu.async_copy(x_hbm.at[nsrc_v], rows_v, sem).wait()
        pltpu.async_copy(rows_v, out_ref.at[ndst_v], sem).wait()

        for j in range(tok_chunks):
            pltpu.make_async_copy(mrep_v, out_ref.at[tidx_v.at[j]], tsem).wait()

    return patch


def _pad_to(idx, total):
    k = idx.shape[0]
    return jnp.concatenate([idx, jnp.broadcast_to(idx[:1], (total - k,))])


def kernel(x, enc_mask_token, token_nodes, noise_nodes, noise_src, mask_nodes):
    n, d = x.shape
    t = token_nodes.shape[0]
    k = noise_nodes.shape[0]

    out = _make_bulk_copy(n, d)(x)

    tok_chunks = (t + _NW * 64 - 1) // (_NW * 64)
    tok = _pad_to(token_nodes, _NW * 64 * tok_chunks)
    tok = tok.reshape(_NW, tok_chunks, 64)

    noise_chunk = ((k + _NW - 1) // _NW + 7) // 8 * 8
    nsrc = _pad_to(noise_src, _NW * noise_chunk)
    ndst = _pad_to(noise_nodes, _NW * noise_chunk)

    mrep = jnp.broadcast_to(enc_mask_token, (64, d))

    out_ref = jax.new_ref(out)
    _make_patch(n, d, tok_chunks, noise_chunk)(x, mrep, tok, nsrc, ndst, out_ref)
    return jax.freeze(out_ref)

# --- scband reference (transcript-rebuilt; emitter-appended) ---
"""Pipeline reference for scband-pre-model-67585605370060 (READ-ONLY COPY).

The authoritative reference and input builder live on the scoring server;
editing this copy changes nothing except your own understanding.
"""

import jax, jax.numpy as jnp
import numpy as np

N = 100000
D = 512
MASK_RATE = 0.3
LEAVE_RATE = 0.1
REPLACE_RATE = 0.1


def setup_inputs(seed: int = 0) -> dict:
    key = jax.random.key(seed)
    k1, k2, k3, k4 = jax.random.split(key, 4)
    x = jax.random.normal(k1, (N, D), dtype=jnp.float32)
    num_mask = int(MASK_RATE * N)
    perm = jax.random.permutation(k2, N)
    mask_nodes = perm[:num_mask]
    perm_mask = jax.random.permutation(k3, num_mask)
    num_leave = int(LEAVE_RATE * num_mask)
    num_noise = int(REPLACE_RATE * num_mask)
    num_real = num_mask - num_leave - num_noise
    token_nodes = mask_nodes[perm_mask[:num_real]]
    noise_nodes = mask_nodes[perm_mask[-num_noise:]]
    noise_src = jax.random.permutation(k4, N)[:num_noise]
    enc_mask_token = jnp.zeros((1, D), dtype=jnp.float32)
    return {
        'x': x,
        'enc_mask_token': enc_mask_token,
        'token_nodes': token_nodes.astype(jnp.int32),
        'noise_nodes': noise_nodes.astype(jnp.int32),
        'noise_src': noise_src.astype(jnp.int32),
        'mask_nodes': mask_nodes.astype(jnp.int32),
    }


def reference(x, enc_mask_token, token_nodes, noise_nodes, noise_src, mask_nodes):
    # Faithful jax translation of PreModel.encoding_mask_noise (the scatter-memory core):
    #   out_x = x.clone(); out_x[token_nodes] = 0.0; out_x[token_nodes] += enc_mask_token
    #   out_x[noise_nodes] = x[noise_to_be_chosen]
    out_x = x.at[token_nodes].set(0.0)
    out_x = out_x.at[token_nodes].add(jnp.broadcast_to(enc_mask_token, (token_nodes.shape[0], enc_mask_token.shape[1])))
    out_x = out_x.at[noise_nodes].set(jnp.take(x, noise_src, axis=0))
    return out_x

if __name__ == "__main__":
    import jax
    _d = setup_inputs()
    print(jax.jit(kernel)(*tuple(_d.values())))

</pallas_src>

<mosaic_0001>
#map = affine_map<(d0, d1) -> (0, 0)>
#map1 = affine_map<(d0, d1) -> (0, 0, 0)>
#map2 = affine_map<(d0, d1) -> (0)>
module attributes {stable_mosaic.version = 14 : i64} {
  func.func @new_body(%arg0: i32, %arg1: i32, %arg2: memref<100000x512xf32, #tpu.memory_space<hbm>>, %arg3: memref<64x512xf32, #tpu.memory_space<hbm>>, %arg4: memref<32x12x64xi32, #tpu.memory_space<hbm>>, %arg5: memref<3072xi32, #tpu.memory_space<hbm>>, %arg6: memref<3072xi32, #tpu.memory_space<hbm>>, %arg7: memref<100000x512xf32, #tpu.memory_space<hbm>>, %arg8: memref<100000x512xf32, #tpu.memory_space<hbm>>, %arg9: memref<64x512xf32, #tpu.memory_space<vmem>>, %arg10: memref<12x64xi32, #tpu.memory_space<vmem>>, %arg11: memref<96xi32, #tpu.memory_space<vmem>>, %arg12: memref<96xi32, #tpu.memory_space<vmem>>, %arg13: memref<96x512xf32, #tpu.memory_space<vmem>>, %arg14: memref<!tpu.dma_semaphore, #tpu.memory_space<semaphore_mem>>, %arg15: memref<!tpu.dma_semaphore, #tpu.memory_space<semaphore_mem>>) attributes {dimension_semantics = [#tpu.dimension_semantics<core_parallel>, #tpu.dimension_semantics<subcore_parallel>], iteration_bounds = array<i64: 2, 16>, scalar_prefetch = 0 : i64, scratch_operands = 7 : i64, tpu.core_type = #tpu.core_type<sc_vector_subcore>, window_params = [{transform_indices = #map}, {transform_indices = #map}, {transform_indices = #map1}, {transform_indices = #map2}, {transform_indices = #map2}, {transform_indices = #map}, {transform_indices = #map}]} {
    %mul3A = arith.constant 2 : i32
    %mul3A_0 = arith.muli %arg1, %mul3A : i32
    %add3A = arith.addi %mul3A_0, %arg0 : i32
    "tpu.region"() ({
      %run_scoped3A = tpu.sem_alloc : memref<!tpu.dma_semaphore, #tpu.memory_space<semaphore_mem>>
      tpu.enqueue_dma source(%arg3 : memref<64x512xf32, #tpu.memory_space<hbm>>) target(%arg9 : memref<64x512xf32, #tpu.memory_space<vmem>>) target_semaphore(%run_scoped3A : memref<!tpu.dma_semaphore, #tpu.memory_space<semaphore_mem>>)
      tpu.wait_dma2 semaphore(%run_scoped3A : memref<!tpu.dma_semaphore, #tpu.memory_space<semaphore_mem>>) src(%arg3 : memref<64x512xf32, #tpu.memory_space<hbm>>) dst(%arg9 : memref<64x512xf32, #tpu.memory_space<vmem>>)
      tpu.yield
    }) : () -> ()
    "tpu.region"() ({
      %run_scoped3A = tpu.sem_alloc : memref<!tpu.dma_semaphore, #tpu.memory_space<semaphore_mem>>
      %dma_start3A_181 = arith.constant 0 : i32
      %dma_start3A_182 = arith.constant 0 : i32
      %dma_start3A_183 = tpu.memref_slice %arg4[%add3A, %dma_start3A_181, %dma_start3A_182] : memref<32x12x64xi32, #tpu.memory_space<hbm>> -> memref<1x12x64xi32, #tpu.memory_space<hbm>>
      %dma_start3A_184 = tpu.memref_squeeze %dma_start3A_183 : memref<1x12x64xi32, #tpu.memory_space<hbm>> -> memref<12x64xi32, #tpu.memory_space<hbm>>
      %dma_start3A_185 = arith.constant 0 : i32
      %dma_start3A_186 = arith.constant 0 : i32
      %dma_start3A_187 = tpu.memref_slice %arg4[%add3A, %dma_start3A_185, %dma_start3A_186] : memref<32x12x64xi32, #tpu.memory_space<hbm>> -> memref<1x12x64xi32, #tpu.memory_space<hbm>>
      %dma_start3A_188 = tpu.memref_squeeze %dma_start3A_187 : memref<1x12x64xi32, #tpu.memory_space<hbm>> -> memref<12x64xi32, #tpu.memory_space<hbm>>
      tpu.enqueue_dma source(%dma_start3A_188 : memref<12x64xi32, #tpu.memory_space<hbm>>) target(%arg10 : memref<12x64xi32, #tpu.memory_space<vmem>>) target_semaphore(%run_scoped3A : memref<!tpu.dma_semaphore, #tpu.memory_space<semaphore_mem>>)
      %dma_wait3A_189 = arith.constant 0 : i32
      %dma_wait3A_190 = arith.constant 0 : i32
      %dma_wait3A_191 = tpu.memref_slice %arg4[%add3A, %dma_wait3A_189, %dma_wait3A_190] : memref<32x12x64xi32, #tpu.memory_space<hbm>> -> memref<1x12x64xi32, #tpu.memory_space<hbm>>
      %dma_wait3A_192 = tpu.memref_squeeze %dma_wait3A_191 : memref<1x12x64xi32, #tpu.memory_space<hbm>> -> memref<12x64xi32, #tpu.memory_space<hbm>>
      %dma_wait3A_193 = arith.constant 0 : i32
      %dma_wait3A_194 = arith.constant 0 : i32
      %dma_wait3A_195 = tpu.memref_slice %arg4[%add3A, %dma_wait3A_193, %dma_wait3A_194] : memref<32x12x64xi32, #tpu.memory_space<hbm>> -> memref<1x12x64xi32, #tpu.memory_space<hbm>>
      %dma_wait3A_196 = tpu.memref_squeeze %dma_wait3A_195 : memref<1x12x64xi32, #tpu.memory_space<hbm>> -> memref<12x64xi32, #tpu.memory_space<hbm>>
      tpu.wait_dma2 semaphore(%run_scoped3A : memref<!tpu.dma_semaphore, #tpu.memory_space<semaphore_mem>>) src(%dma_wait3A_196 : memref<12x64xi32, #tpu.memory_space<hbm>>) dst(%arg10 : memref<12x64xi32, #tpu.memory_space<vmem>>)
      tpu.yield
    }) : () -> ()
    %dma_start3A = arith.constant 0 : i32
    %dma_start3A_1 = arith.constant 0 : i32
    %dma_start3A_2 = tpu.memref_slice %arg10[%dma_start3A, %dma_start3A_1] : memref<12x64xi32, #tpu.memory_space<vmem>> -> memref<1x64xi32, #tpu.memory_space<vmem>>
    %dma_start3A_3 = tpu.memref_squeeze %dma_start3A_2 : memref<1x64xi32, #tpu.memory_space<vmem>> -> memref<64xi32, #tpu.memory_space<vmem>>
    %dma_start3A_4 = arith.constant 0 : i32
    %dma_start3A_5 = arith.constant 0 : i32
    %dma_start3A_6 = tpu.memref_slice %arg7[%dma_start3A_4, %dma_start3A_5] : memref<100000x512xf32, #tpu.memory_space<hbm>> -> memref<100000x512xf32, #tpu.memory_space<hbm>>
    tpu.enqueue_indirect_dma source(%arg9 : memref<64x512xf32, #tpu.memory_space<vmem>>) target(%dma_start3A_6 : memref<100000x512xf32, #tpu.memory_space<hbm>>) offsets(%dma_start3A_3 : memref<64xi32, #tpu.memory_space<vmem>>) semaphore(%arg15 : memref<!tpu.dma_semaphore, #tpu.memory_space<semaphore_mem>>)
    %dma_start3A_7 = arith.constant 1 : i32
    %dma_start3A_8 = arith.constant 0 : i32
    %dma_start3A_9 = tpu.memref_slice %arg10[%dma_start3A_7, %dma_start3A_8] : memref<12x64xi32, #tpu.memory_space<vmem>> -> memref<1x64xi32, #tpu.memory_space<vmem>>
    %dma_start3A_10 = tpu.memref_squeeze %dma_start3A_9 : memref<1x64xi32, #tpu.memory_space<vmem>> -> memref<64xi32, #tpu.memory_space<vmem>>
    %dma_start3A_11 = arith.constant 0 : i32
    %dma_start3A_12 = arith.constant 0 : i32
    %dma_start3A_13 = tpu.memref_slice %arg7[%dma_start3A_11, %dma_start3A_12] : memref<100000x512xf32, #tpu.memory_space<hbm>> -> memref<100000x512xf32, #tpu.memory_space<hbm>>
    tpu.enqueue_indirect_dma source(%arg9 : memref<64x512xf32, #tpu.memory_space<vmem>>) target(%dma_start3A_13 : memref<100000x512xf32, #tpu.memory_space<hbm>>) offsets(%dma_start3A_10 : memref<64xi32, #tpu.memory_space<vmem>>) semaphore(%arg15 : memref<!tpu.dma_semaphore, #tpu.memory_space<semaphore_mem>>)
    %dma_start3A_14 = arith.constant 2 : i32
    %dma_start3A_15 = arith.constant 0 : i32
    %dma_start3A_16 = tpu.memref_slice %arg10[%dma_start3A_14, %dma_start3A_15] : memref<12x64xi32, #tpu.memory_space<vmem>> -> memref<1x64xi32, #tpu.memory_space<vmem>>
    %dma_start3A_17 = tpu.memref_squeeze %dma_start3A_16 : memref<1x64xi32, #tpu.memory_space<vmem>> -> memref<64xi32, #tpu.memory_space<vmem>>
    %dma_start3A_18 = arith.constant 0 : i32
    %dma_start3A_19 = arith.constant 0 : i32
    %dma_start3A_20 = tpu.memref_slice %arg7[%dma_start3A_18, %dma_start3A_19] : memref<100000x512xf32, #tpu.memory_space<hbm>> -> memref<100000x512xf32, #tpu.memory_space<hbm>>
    tpu.enqueue_indirect_dma source(%arg9 : memref<64x512xf32, #tpu.memory_space<vmem>>) target(%dma_start3A_20 : memref<100000x512xf32, #tpu.memory_space<hbm>>) offsets(%dma_start3A_17 : memref<64xi32, #tpu.memory_space<vmem>>) semaphore(%arg15 : memref<!tpu.dma_semaphore, #tpu.memory_space<semaphore_mem>>)
    %dma_start3A_21 = arith.constant 3 : i32
    %dma_start3A_22 = arith.constant 0 : i32
    %dma_start3A_23 = tpu.memref_slice %arg10[%dma_start3A_21, %dma_start3A_22] : memref<12x64xi32, #tpu.memory_space<vmem>> -> memref<1x64xi32, #tpu.memory_space<vmem>>
    %dma_start3A_24 = tpu.memref_squeeze %dma_start3A_23 : memref<1x64xi32, #tpu.memory_space<vmem>> -> memref<64xi32, #tpu.memory_space<vmem>>
    %dma_start3A_25 = arith.constant 0 : i32
    %dma_start3A_26 = arith.constant 0 : i32
    %dma_start3A_27 = tpu.memref_slice %arg7[%dma_start3A_25, %dma_start3A_26] : memref<100000x512xf32, #tpu.memory_space<hbm>> -> memref<100000x512xf32, #tpu.memory_space<hbm>>
    tpu.enqueue_indirect_dma source(%arg9 : memref<64x512xf32, #tpu.memory_space<vmem>>) target(%dma_start3A_27 : memref<100000x512xf32, #tpu.memory_space<hbm>>) offsets(%dma_start3A_24 : memref<64xi32, #tpu.memory_space<vmem>>) semaphore(%arg15 : memref<!tpu.dma_semaphore, #tpu.memory_space<semaphore_mem>>)
    %dma_start3A_28 = arith.constant 4 : i32
    %dma_start3A_29 = arith.constant 0 : i32
    %dma_start3A_30 = tpu.memref_slice %arg10[%dma_start3A_28, %dma_start3A_29] : memref<12x64xi32, #tpu.memory_space<vmem>> -> memref<1x64xi32, #tpu.memory_space<vmem>>
    %dma_start3A_31 = tpu.memref_squeeze %dma_start3A_30 : memref<1x64xi32, #tpu.memory_space<vmem>> -> memref<64xi32, #tpu.memory_space<vmem>>
    %dma_start3A_32 = arith.constant 0 : i32
    %dma_start3A_33 = arith.constant 0 : i32
    %dma_start3A_34 = tpu.memref_slice %arg7[%dma_start3A_32, %dma_start3A_33] : memref<100000x512xf32, #tpu.memory_space<hbm>> -> memref<100000x512xf32, #tpu.memory_space<hbm>>
    tpu.enqueue_indirect_dma source(%arg9 : memref<64x512xf32, #tpu.memory_space<vmem>>) target(%dma_start3A_34 : memref<100000x512xf32, #tpu.memory_space<hbm>>) offsets(%dma_start3A_31 : memref<64xi32, #tpu.memory_space<vmem>>) semaphore(%arg15 : memref<!tpu.dma_semaphore, #tpu.memory_space<semaphore_mem>>)
    %dma_start3A_35 = arith.constant 5 : i32
    %dma_start3A_36 = arith.constant 0 : i32
    %dma_start3A_37 = tpu.memref_slice %arg10[%dma_start3A_35, %dma_start3A_36] : memref<12x64xi32, #tpu.memory_space<vmem>> -> memref<1x64xi32, #tpu.memory_space<vmem>>
    %dma_start3A_38 = tpu.memref_squeeze %dma_start3A_37 : memref<1x64xi32, #tpu.memory_space<vmem>> -> memref<64xi32, #tpu.memory_space<vmem>>
    %dma_start3A_39 = arith.constant 0 : i32
    %dma_start3A_40 = arith.constant 0 : i32
    %dma_start3A_41 = tpu.memref_slice %arg7[%dma_start3A_39, %dma_start3A_40] : memref<100000x512xf32, #tpu.memory_space<hbm>> -> memref<100000x512xf32, #tpu.memory_space<hbm>>
    tpu.enqueue_indirect_dma source(%arg9 : memref<64x512xf32, #tpu.memory_space<vmem>>) target(%dma_start3A_41 : memref<100000x512xf32, #tpu.memory_space<hbm>>) offsets(%dma_start3A_38 : memref<64xi32, #tpu.memory_space<vmem>>) semaphore(%arg15 : memref<!tpu.dma_semaphore, #tpu.memory_space<semaphore_mem>>)
    %dma_start3A_42 = arith.constant 6 : i32
    %dma_start3A_43 = arith.constant 0 : i32
    %dma_start3A_44 = tpu.memref_slice %arg10[%dma_start3A_42, %dma_start3A_43] : memref<12x64xi32, #tpu.memory_space<vmem>> -> memref<1x64xi32, #tpu.memory_space<vmem>>
    %dma_start3A_45 = tpu.memref_squeeze %dma_start3A_44 : memref<1x64xi32, #tpu.memory_space<vmem>> -> memref<64xi32, #tpu.memory_space<vmem>>
    %dma_start3A_46 = arith.constant 0 : i32
    %dma_start3A_47 = arith.constant 0 : i32
    %dma_start3A_48 = tpu.memref_slice %arg7[%dma_start3A_46, %dma_start3A_47] : memref<100000x512xf32, #tpu.memory_space<hbm>> -> memref<100000x512xf32, #tpu.memory_space<hbm>>
    tpu.enqueue_indirect_dma source(%arg9 : memref<64x512xf32, #tpu.memory_space<vmem>>) target(%dma_start3A_48 : memref<100000x512xf32, #tpu.memory_space<hbm>>) offsets(%dma_start3A_45 : memref<64xi32, #tpu.memory_space<vmem>>) semaphore(%arg15 : memref<!tpu.dma_semaphore, #tpu.memory_space<semaphore_mem>>)
    %dma_start3A_49 = arith.constant 7 : i32
    %dma_start3A_50 = arith.constant 0 : i32
    %dma_start3A_51 = tpu.memref_slice %arg10[%dma_start3A_49, %dma_start3A_50] : memref<12x64xi32, #tpu.memory_space<vmem>> -> memref<1x64xi32, #tpu.memory_space<vmem>>
    %dma_start3A_52 = tpu.memref_squeeze %dma_start3A_51 : memref<1x64xi32, #tpu.memory_space<vmem>> -> memref<64xi32, #tpu.memory_space<vmem>>
    %dma_start3A_53 = arith.constant 0 : i32
    %dma_start3A_54 = arith.constant 0 : i32
    %dma_start3A_55 = tpu.memref_slice %arg7[%dma_start3A_53, %dma_start3A_54] : memref<100000x512xf32, #tpu.memory_space<hbm>> -> memref<100000x512xf32, #tpu.memory_space<hbm>>
    tpu.enqueue_indirect_dma source(%arg9 : memref<64x512xf32, #tpu.memory_space<vmem>>) target(%dma_start3A_55 : memref<100000x512xf32, #tpu.memory_space<hbm>>) offsets(%dma_start3A_52 : memref<64xi32, #tpu.memory_space<vmem>>) semaphore(%arg15 : memref<!tpu.dma_semaphore, #tpu.memory_space<semaphore_mem>>)
    %dma_start3A_56 = arith.constant 8 : i32
    %dma_start3A_57 = arith.constant 0 : i32
    %dma_start3A_58 = tpu.memref_slice %arg10[%dma_start3A_56, %dma_start3A_57] : memref<12x64xi32, #tpu.memory_space<vmem>> -> memref<1x64xi32, #tpu.memory_space<vmem>>
    %dma_start3A_59 = tpu.memref_squeeze %dma_start3A_58 : memref<1x64xi32, #tpu.memory_space<vmem>> -> memref<64xi32, #tpu.memory_space<vmem>>
    %dma_start3A_60 = arith.constant 0 : i32
    %dma_start3A_61 = arith.constant 0 : i32
    %dma_start3A_62 = tpu.memref_slice %arg7[%dma_start3A_60, %dma_start3A_61] : memref<100000x512xf32, #tpu.memory_space<hbm>> -> memref<100000x512xf32, #tpu.memory_space<hbm>>
    tpu.enqueue_indirect_dma source(%arg9 : memref<64x512xf32, #tpu.memory_space<vmem>>) target(%dma_start3A_62 : memref<100000x512xf32, #tpu.memory_space<hbm>>) offsets(%dma_start3A_59 : memref<64xi32, #tpu.memory_space<vmem>>) semaphore(%arg15 : memref<!tpu.dma_semaphore, #tpu.memory_space<semaphore_mem>>)
    %dma_start3A_63 = arith.constant 9 : i32
    %dma_start3A_64 = arith.constant 0 : i32
    %dma_start3A_65 = tpu.memref_slice %arg10[%dma_start3A_63, %dma_start3A_64] : memref<12x64xi32, #tpu.memory_space<vmem>> -> memref<1x64xi32, #tpu.memory_space<vmem>>
    %dma_start3A_66 = tpu.memref_squeeze %dma_start3A_65 : memref<1x64xi32, #tpu.memory_space<vmem>> -> memref<64xi32, #tpu.memory_space<vmem>>
    %dma_start3A_67 = arith.constant 0 : i32
    %dma_start3A_68 = arith.constant 0 : i32
    %dma_start3A_69 = tpu.memref_slice %arg7[%dma_start3A_67, %dma_start3A_68] : memref<100000x512xf32, #tpu.memory_space<hbm>> -> memref<100000x512xf32, #tpu.memory_space<hbm>>
    tpu.enqueue_indirect_dma source(%arg9 : memref<64x512xf32, #tpu.memory_space<vmem>>) target(%dma_start3A_69 : memref<100000x512xf32, #tpu.memory_space<hbm>>) offsets(%dma_start3A_66 : memref<64xi32, #tpu.memory_space<vmem>>) semaphore(%arg15 : memref<!tpu.dma_semaphore, #tpu.memory_space<semaphore_mem>>)
    %dma_start3A_70 = arith.constant 10 : i32
    %dma_start3A_71 = arith.constant 0 : i32
    %dma_start3A_72 = tpu.memref_slice %arg10[%dma_start3A_70, %dma_start3A_71] : memref<12x64xi32, #tpu.memory_space<vmem>> -> memref<1x64xi32, #tpu.memory_space<vmem>>
    %dma_start3A_73 = tpu.memref_squeeze %dma_start3A_72 : memref<1x64xi32, #tpu.memory_space<vmem>> -> memref<64xi32, #tpu.memory_space<vmem>>
    %dma_start3A_74 = arith.constant 0 : i32
    %dma_start3A_75 = arith.constant 0 : i32
    %dma_start3A_76 = tpu.memref_slice %arg7[%dma_start3A_74, %dma_start3A_75] : memref<100000x512xf32, #tpu.memory_space<hbm>> -> memref<100000x512xf32, #tpu.memory_space<hbm>>
    tpu.enqueue_indirect_dma source(%arg9 : memref<64x512xf32, #tpu.memory_space<vmem>>) target(%dma_start3A_76 : memref<100000x512xf32, #tpu.memory_space<hbm>>) offsets(%dma_start3A_73 : memref<64xi32, #tpu.memory_space<vmem>>) semaphore(%arg15 : memref<!tpu.dma_semaphore, #tpu.memory_space<semaphore_mem>>)
    %dma_start3A_77 = arith.constant 11 : i32
    %dma_start3A_78 = arith.constant 0 : i32
    %dma_start3A_79 = tpu.memref_slice %arg10[%dma_start3A_77, %dma_start3A_78] : memref<12x64xi32, #tpu.memory_space<vmem>> -> memref<1x64xi32, #tpu.memory_space<vmem>>
    %dma_start3A_80 = tpu.memref_squeeze %dma_start3A_79 : memref<1x64xi32, #tpu.memory_space<vmem>> -> memref<64xi32, #tpu.memory_space<vmem>>
    %dma_start3A_81 = arith.constant 0 : i32
    %dma_start3A_82 = arith.constant 0 : i32
    %dma_start3A_83 = tpu.memref_slice %arg7[%dma_start3A_81, %dma_start3A_82] : memref<100000x512xf32, #tpu.memory_space<hbm>> -> memref<100000x512xf32, #tpu.memory_space<hbm>>
    tpu.enqueue_indirect_dma source(%arg9 : memref<64x512xf32, #tpu.memory_space<vmem>>) target(%dma_start3A_83 : memref<100000x512xf32, #tpu.memory_space<hbm>>) offsets(%dma_start3A_80 : memref<64xi32, #tpu.memory_space<vmem>>) semaphore(%arg15 : memref<!tpu.dma_semaphore, #tpu.memory_space<semaphore_mem>>)
    %mul3A_84 = arith.constant 96 : i32
    %mul3A_85 = arith.muli %add3A, %mul3A_84 : i32
    "tpu.region"() ({
      %run_scoped3A = tpu.sem_alloc : memref<!tpu.dma_semaphore, #tpu.memory_space<semaphore_mem>>
      %dma_start3A_181 = tpu.memref_slice %arg5[%mul3A_85] : memref<3072xi32, #tpu.memory_space<hbm>> -> memref<96xi32, #tpu.memory_space<hbm>>
      %dma_start3A_182 = tpu.memref_slice %arg5[%mul3A_85] : memref<3072xi32, #tpu.memory_space<hbm>> -> memref<96xi32, #tpu.memory_space<hbm>>
      tpu.enqueue_dma source(%dma_start3A_182 : memref<96xi32, #tpu.memory_space<hbm>>) target(%arg11 : memref<96xi32, #tpu.memory_space<vmem>>) target_semaphore(%run_scoped3A : memref<!tpu.dma_semaphore, #tpu.memory_space<semaphore_mem>>)
      %dma_wait3A_183 = tpu.memref_slice %arg5[%mul3A_85] : memref<3072xi32, #tpu.memory_space<hbm>> -> memref<96xi32, #tpu.memory_space<hbm>>
      %dma_wait3A_184 = tpu.memref_slice %arg5[%mul3A_85] : memref<3072xi32, #tpu.memory_space<hbm>> -> memref<96xi32, #tpu.memory_space<hbm>>
      tpu.wait_dma2 semaphore(%run_scoped3A : memref<!tpu.dma_semaphore, #tpu.memory_space<semaphore_mem>>) src(%dma_wait3A_184 : memref<96xi32, #tpu.memory_space<hbm>>) dst(%arg11 : memref<96xi32, #tpu.memory_space<vmem>>)
      tpu.yield
    }) : () -> ()
    "tpu.region"() ({
      %run_scoped3A = tpu.sem_alloc : memref<!tpu.dma_semaphore, #tpu.memory_space<semaphore_mem>>
      %dma_start3A_181 = tpu.memref_slice %arg6[%mul3A_85] : memref<3072xi32, #tpu.memory_space<hbm>> -> memref<96xi32, #tpu.memory_space<hbm>>
      %dma_start3A_182 = tpu.memref_slice %arg6[%mul3A_85] : memref<3072xi32, #tpu.memory_space<hbm>> -> memref<96xi32, #tpu.memory_space<hbm>>
      tpu.enqueue_dma source(%dma_start3A_182 : memref<96xi32, #tpu.memory_space<hbm>>) target(%arg12 : memref<96xi32, #tpu.memory_space<vmem>>) target_semaphore(%run_scoped3A : memref<!tpu.dma_semaphore, #tpu.memory_space<semaphore_mem>>)
      %dma_wait3A_183 = tpu.memref_slice %arg6[%mul3A_85] : memref<3072xi32, #tpu.memory_space<hbm>> -> memref<96xi32, #tpu.memory_space<hbm>>
      %dma_wait3A_184 = tpu.memref_slice %arg6[%mul3A_85] : memref<3072xi32, #tpu.memory_space<hbm>> -> memref<96xi32, #tpu.memory_space<hbm>>
      tpu.wait_dma2 semaphore(%run_scoped3A : memref<!tpu.dma_semaphore, #tpu.memory_space<semaphore_mem>>) src(%dma_wait3A_184 : memref<96xi32, #tpu.memory_space<hbm>>) dst(%arg12 : memref<96xi32, #tpu.memory_space<vmem>>)
      tpu.yield
    }) : () -> ()
    %dma_start3A_86 = arith.constant 0 : i32
    %dma_start3A_87 = arith.constant 0 : i32
    %dma_start3A_88 = tpu.memref_slice %arg2[%dma_start3A_86, %dma_start3A_87] : memref<100000x512xf32, #tpu.memory_space<hbm>> -> memref<100000x512xf32, #tpu.memory_space<hbm>>
    tpu.enqueue_indirect_dma source(%dma_start3A_88 : memref<100000x512xf32, #tpu.memory_space<hbm>>) target(%arg13 : memref<96x512xf32, #tpu.memory_space<vmem>>) offsets(%arg11 : memref<96xi32, #tpu.memory_space<vmem>>) semaphore(%arg14 : memref<!tpu.dma_semaphore, #tpu.memory_space<semaphore_mem>>)
    %dma_wait3A = arith.constant 0 : i32
    %dma_wait3A_89 = arith.constant 0 : i32
    %dma_wait3A_90 = tpu.memref_slice %arg2[%dma_wait3A, %dma_wait3A_89] : memref<100000x512xf32, #tpu.memory_space<hbm>> -> memref<100000x512xf32, #tpu.memory_space<hbm>>
    tpu.wait_indirect_dma semaphore(%arg14 : memref<!tpu.dma_semaphore, #tpu.memory_space<semaphore_mem>>) src(%dma_wait3A_90 : memref<100000x512xf32, #tpu.memory_space<hbm>>) dst(%arg13 : memref<96x512xf32, #tpu.memory_space<vmem>>)
    %dma_start3A_91 = arith.constant 0 : i32
    %dma_start3A_92 = arith.constant 0 : i32
    %dma_start3A_93 = tpu.memref_slice %arg7[%dma_start3A_91, %dma_start3A_92] : memref<100000x512xf32, #tpu.memory_space<hbm>> -> memref<100000x512xf32, #tpu.memory_space<hbm>>
    tpu.enqueue_indirect_dma source(%arg13 : memref<96x512xf32, #tpu.memory_space<vmem>>) target(%dma_start3A_93 : memref<100000x512xf32, #tpu.memory_space<hbm>>) offsets(%arg12 : memref<96xi32, #tpu.memory_space<vmem>>) semaphore(%arg14 : memref<!tpu.dma_semaphore, #tpu.memory_space<semaphore_mem>>)
    %dma_wait3A_94 = arith.constant 0 : i32
    %dma_wait3A_95 = arith.constant 0 : i32
    %dma_wait3A_96 = tpu.memref_slice %arg7[%dma_wait3A_94, %dma_wait3A_95] : memref<100000x512xf32, #tpu.memory_space<hbm>> -> memref<100000x512xf32, #tpu.memory_space<hbm>>
    tpu.wait_indirect_dma semaphore(%arg14 : memref<!tpu.dma_semaphore, #tpu.memory_space<semaphore_mem>>) src(%arg13 : memref<96x512xf32, #tpu.memory_space<vmem>>) dst(%dma_wait3A_96 : memref<100000x512xf32, #tpu.memory_space<hbm>>)
    %dma_wait3A_97 = arith.constant 0 : i32
    %dma_wait3A_98 = arith.constant 0 : i32
    %dma_wait3A_99 = tpu.memref_slice %arg10[%dma_wait3A_97, %dma_wait3A_98] : memref<12x64xi32, #tpu.memory_space<vmem>> -> memref<1x64xi32, #tpu.memory_space<vmem>>
    %dma_wait3A_100 = tpu.memref_squeeze %dma_wait3A_99 : memref<1x64xi32, #tpu.memory_space<vmem>> -> memref<64xi32, #tpu.memory_space<vmem>>
    %dma_wait3A_101 = arith.constant 0 : i32
    %dma_wait3A_102 = arith.constant 0 : i32
    %dma_wait3A_103 = tpu.memref_slice %arg7[%dma_wait3A_101, %dma_wait3A_102] : memref<100000x512xf32, #tpu.memory_space<hbm>> -> memref<100000x512xf32, #tpu.memory_space<hbm>>
    tpu.wait_indirect_dma semaphore(%arg15 : memref<!tpu.dma_semaphore, #tpu.memory_space<semaphore_mem>>) src(%arg9 : memref<64x512xf32, #tpu.memory_space<vmem>>) dst(%dma_wait3A_103 : memref<100000x512xf32, #tpu.memory_space<hbm>>)
    %dma_wait3A_104 = arith.constant 1 : i32
    %dma_wait3A_105 = arith.constant 0 : i32
    %dma_wait3A_106 = tpu.memref_slice %arg10[%dma_wait3A_104, %dma_wait3A_105] : memref<12x64xi32, #tpu.memory_space<vmem>> -> memref<1x64xi32, #tpu.memory_space<vmem>>
    %dma_wait3A_107 = tpu.memref_squeeze %dma_wait3A_106 : memref<1x64xi32, #tpu.memory_space<vmem>> -> memref<64xi32, #tpu.memory_space<vmem>>
    %dma_wait3A_108 = arith.constant 0 : i32
    %dma_wait3A_109 = arith.constant 0 : i32
    %dma_wait3A_110 = tpu.memref_slice %arg7[%dma_wait3A_108, %dma_wait3A_109] : memref<100000x512xf32, #tpu.memory_space<hbm>> -> memref<100000x512xf32, #tpu.memory_space<hbm>>
    tpu.wait_indirect_dma semaphore(%arg15 : memref<!tpu.dma_semaphore, #tpu.memory_space<semaphore_mem>>) src(%arg9 : memref<64x512xf32, #tpu.memory_space<vmem>>) dst(%dma_wait3A_110 : memref<100000x512xf32, #tpu.memory_space<hbm>>)
    %dma_wait3A_111 = arith.constant 2 : i32
    %dma_wait3A_112 = arith.constant 0 : i32
    %dma_wait3A_113 = tpu.memref_slice %arg10[%dma_wait3A_111, %dma_wait3A_112] : memref<12x64xi32, #tpu.memory_space<vmem>> -> memref<1x64xi32, #tpu.memory_space<vmem>>
    %dma_wait3A_114 = tpu.memref_squeeze %dma_wait3A_113 : memref<1x64xi32, #tpu.memory_space<vmem>> -> memref<64xi32, #tpu.memory_space<vmem>>
    %dma_wait3A_115 = arith.constant 0 : i32
    %dma_wait3A_116 = arith.constant 0 : i32
    %dma_wait3A_117 = tpu.memref_slice %arg7[%dma_wait3A_115, %dma_wait3A_116] : memref<100000x512xf32, #tpu.memory_space<hbm>> -> memref<100000x512xf32, #tpu.memory_space<hbm>>
    tpu.wait_indirect_dma semaphore(%arg15 : memref<!tpu.dma_semaphore, #tpu.memory_space<semaphore_mem>>) src(%arg9 : memref<64x512xf32, #tpu.memory_space<vmem>>) dst(%dma_wait3A_117 : memref<100000x512xf32, #tpu.memory_space<hbm>>)
    %dma_wait3A_118 = arith.constant 3 : i32
    %dma_wait3A_119 = arith.constant 0 : i32
    %dma_wait3A_120 = tpu.memref_slice %arg10[%dma_wait3A_118, %dma_wait3A_119] : memref<12x64xi32, #tpu.memory_space<vmem>> -> memref<1x64xi32, #tpu.memory_space<vmem>>
    %dma_wait3A_121 = tpu.memref_squeeze %dma_wait3A_120 : memref<1x64xi32, #tpu.memory_space<vmem>> -> memref<64xi32, #tpu.memory_space<vmem>>
    %dma_wait3A_122 = arith.constant 0 : i32
    %dma_wait3A_123 = arith.constant 0 : i32
    %dma_wait3A_124 = tpu.memref_slice %arg7[%dma_wait3A_122, %dma_wait3A_123] : memref<100000x512xf32, #tpu.memory_space<hbm>> -> memref<100000x512xf32, #tpu.memory_space<hbm>>
    tpu.wait_indirect_dma semaphore(%arg15 : memref<!tpu.dma_semaphore, #tpu.memory_space<semaphore_mem>>) src(%arg9 : memref<64x512xf32, #tpu.memory_space<vmem>>) dst(%dma_wait3A_124 : memref<100000x512xf32, #tpu.memory_space<hbm>>)
    %dma_wait3A_125 = arith.constant 4 : i32
    %dma_wait3A_126 = arith.constant 0 : i32
    %dma_wait3A_127 = tpu.memref_slice %arg10[%dma_wait3A_125, %dma_wait3A_126] : memref<12x64xi32, #tpu.memory_space<vmem>> -> memref<1x64xi32, #tpu.memory_space<vmem>>
    %dma_wait3A_128 = tpu.memref_squeeze %dma_wait3A_127 : memref<1x64xi32, #tpu.memory_space<vmem>> -> memref<64xi32, #tpu.memory_space<vmem>>
    %dma_wait3A_129 = arith.constant 0 : i32
    %dma_wait3A_130 = arith.constant 0 : i32
    %dma_wait3A_131 = tpu.memref_slice %arg7[%dma_wait3A_129, %dma_wait3A_130] : memref<100000x512xf32, #tpu.memory_space<hbm>> -> memref<100000x512xf32, #tpu.memory_space<hbm>>
    tpu.wait_indirect_dma semaphore(%arg15 : memref<!tpu.dma_semaphore, #tpu.memory_space<semaphore_mem>>) src(%arg9 : memref<64x512xf32, #tpu.memory_space<vmem>>) dst(%dma_wait3A_131 : memref<100000x512xf32, #tpu.memory_space<hbm>>)
    %dma_wait3A_132 = arith.constant 5 : i32
    %dma_wait3A_133 = arith.constant 0 : i32
    %dma_wait3A_134 = tpu.memref_slice %arg10[%dma_wait3A_132, %dma_wait3A_133] : memref<12x64xi32, #tpu.memory_space<vmem>> -> memref<1x64xi32, #tpu.memory_space<vmem>>
    %dma_wait3A_135 = tpu.memref_squeeze %dma_wait3A_134 : memref<1x64xi32, #tpu.memory_space<vmem>> -> memref<64xi32, #tpu.memory_space<vmem>>
    %dma_wait3A_136 = arith.constant 0 : i32
    %dma_wait3A_137 = arith.constant 0 : i32
    %dma_wait3A_138 = tpu.memref_slice %arg7[%dma_wait3A_136, %dma_wait3A_137] : memref<100000x512xf32, #tpu.memory_space<hbm>> -> memref<100000x512xf32, #tpu.memory_space<hbm>>
    tpu.wait_indirect_dma semaphore(%arg15 : memref<!tpu.dma_semaphore, #tpu.memory_space<semaphore_mem>>) src(%arg9 : memref<64x512xf32, #tpu.memory_space<vmem>>) dst(%dma_wait3A_138 : memref<100000x512xf32, #tpu.memory_space<hbm>>)
    %dma_wait3A_139 = arith.constant 6 : i32
    %dma_wait3A_140 = arith.constant 0 : i32
    %dma_wait3A_141 = tpu.memref_slice %arg10[%dma_wait3A_139, %dma_wait3A_140] : memref<12x64xi32, #tpu.memory_space<vmem>> -> memref<1x64xi32, #tpu.memory_space<vmem>>
    %dma_wait3A_142 = tpu.memref_squeeze %dma_wait3A_141 : memref<1x64xi32, #tpu.memory_space<vmem>> -> memref<64xi32, #tpu.memory_space<vmem>>
    %dma_wait3A_143 = arith.constant 0 : i32
    %dma_wait3A_144 = arith.constant 0 : i32
    %dma_wait3A_145 = tpu.memref_slice %arg7[%dma_wait3A_143, %dma_wait3A_144] : memref<100000x512xf32, #tpu.memory_space<hbm>> -> memref<100000x512xf32, #tpu.memory_space<hbm>>
    tpu.wait_indirect_dma semaphore(%arg15 : memref<!tpu.dma_semaphore, #tpu.memory_space<semaphore_mem>>) src(%arg9 : memref<64x512xf32, #tpu.memory_space<vmem>>) dst(%dma_wait3A_145 : memref<100000x512xf32, #tpu.memory_space<hbm>>)
    %dma_wait3A_146 = arith.constant 7 : i32
    %dma_wait3A_147 = arith.constant 0 : i32
    %dma_wait3A_148 = tpu.memref_slice %arg10[%dma_wait3A_146, %dma_wait3A_147] : memref<12x64xi32, #tpu.memory_space<vmem>> -> memref<1x64xi32, #tpu.memory_space<vmem>>
    %dma_wait3A_149 = tpu.memref_squeeze %dma_wait3A_148 : memref<1x64xi32, #tpu.memory_space<vmem>> -> memref<64xi32, #tpu.memory_space<vmem>>
    %dma_wait3A_150 = arith.constant 0 : i32
    %dma_wait3A_151 = arith.constant 0 : i32
    %dma_wait3A_152 = tpu.memref_slice %arg7[%dma_wait3A_150, %dma_wait3A_151] : memref<100000x512xf32, #tpu.memory_space<hbm>> -> memref<100000x512xf32, #tpu.memory_space<hbm>>
    tpu.wait_indirect_dma semaphore(%arg15 : memref<!tpu.dma_semaphore, #tpu.memory_space<semaphore_mem>>) src(%arg9 : memref<64x512xf32, #tpu.memory_space<vmem>>) dst(%dma_wait3A_152 : memref<100000x512xf32, #tpu.memory_space<hbm>>)
    %dma_wait3A_153 = arith.constant 8 : i32
    %dma_wait3A_154 = arith.constant 0 : i32
    %dma_wait3A_155 = tpu.memref_slice %arg10[%dma_wait3A_153, %dma_wait3A_154] : memref<12x64xi32, #tpu.memory_space<vmem>> -> memref<1x64xi32, #tpu.memory_space<vmem>>
    %dma_wait3A_156 = tpu.memref_squeeze %dma_wait3A_155 : memref<1x64xi32, #tpu.memory_space<vmem>> -> memref<64xi32, #tpu.memory_space<vmem>>
    %dma_wait3A_157 = arith.constant 0 : i32
    %dma_wait3A_158 = arith.constant 0 : i32
    %dma_wait3A_159 = tpu.memref_slice %arg7[%dma_wait3A_157, %dma_wait3A_158] : memref<100000x512xf32, #tpu.memory_space<hbm>> -> memref<100000x512xf32, #tpu.memory_space<hbm>>
    tpu.wait_indirect_dma semaphore(%arg15 : memref<!tpu.dma_semaphore, #tpu.memory_space<semaphore_mem>>) src(%arg9 : memref<64x512xf32, #tpu.memory_space<vmem>>) dst(%dma_wait3A_159 : memref<100000x512xf32, #tpu.memory_space<hbm>>)
    %dma_wait3A_160 = arith.constant 9 : i32
    %dma_wait3A_161 = arith.constant 0 : i32
    %dma_wait3A_162 = tpu.memref_slice %arg10[%dma_wait3A_160, %dma_wait3A_161] : memref<12x64xi32, #tpu.memory_space<vmem>> -> memref<1x64xi32, #tpu.memory_space<vmem>>
    %dma_wait3A_163 = tpu.memref_squeeze %dma_wait3A_162 : memref<1x64xi32, #tpu.memory_space<vmem>> -> memref<64xi32, #tpu.memory_space<vmem>>
    %dma_wait3A_164 = arith.constant 0 : i32
    %dma_wait3A_165 = arith.constant 0 : i32
    %dma_wait3A_166 = tpu.memref_slice %arg7[%dma_wait3A_164, %dma_wait3A_165] : memref<100000x512xf32, #tpu.memory_space<hbm>> -> memref<100000x512xf32, #tpu.memory_space<hbm>>
    tpu.wait_indirect_dma semaphore(%arg15 : memref<!tpu.dma_semaphore, #tpu.memory_space<semaphore_mem>>) src(%arg9 : memref<64x512xf32, #tpu.memory_space<vmem>>) dst(%dma_wait3A_166 : memref<100000x512xf32, #tpu.memory_space<hbm>>)
    %dma_wait3A_167 = arith.constant 10 : i32
    %dma_wait3A_168 = arith.constant 0 : i32
    %dma_wait3A_169 = tpu.memref_slice %arg10[%dma_wait3A_167, %dma_wait3A_168] : memref<12x64xi32, #tpu.memory_space<vmem>> -> memref<1x64xi32, #tpu.memory_space<vmem>>
    %dma_wait3A_170 = tpu.memref_squeeze %dma_wait3A_169 : memref<1x64xi32, #tpu.memory_space<vmem>> -> memref<64xi32, #tpu.memory_space<vmem>>
    %dma_wait3A_171 = arith.constant 0 : i32
    %dma_wait3A_172 = arith.constant 0 : i32
    %dma_wait3A_173 = tpu.memref_slice %arg7[%dma_wait3A_171, %dma_wait3A_172] : memref<100000x512xf32, #tpu.memory_space<hbm>> -> memref<100000x512xf32, #tpu.memory_space<hbm>>
    tpu.wait_indirect_dma semaphore(%arg15 : memref<!tpu.dma_semaphore, #tpu.memory_space<semaphore_mem>>) src(%arg9 : memref<64x512xf32, #tpu.memory_space<vmem>>) dst(%dma_wait3A_173 : memref<100000x512xf32, #tpu.memory_space<hbm>>)
    %dma_wait3A_174 = arith.constant 11 : i32
    %dma_wait3A_175 = arith.constant 0 : i32
    %dma_wait3A_176 = tpu.memref_slice %arg10[%dma_wait3A_174, %dma_wait3A_175] : memref<12x64xi32, #tpu.memory_space<vmem>> -> memref<1x64xi32, #tpu.memory_space<vmem>>
    %dma_wait3A_177 = tpu.memref_squeeze %dma_wait3A_176 : memref<1x64xi32, #tpu.memory_space<vmem>> -> memref<64xi32, #tpu.memory_space<vmem>>
    %dma_wait3A_178 = arith.constant 0 : i32
    %dma_wait3A_179 = arith.constant 0 : i32
    %dma_wait3A_180 = tpu.memref_slice %arg7[%dma_wait3A_178, %dma_wait3A_179] : memref<100000x512xf32, #tpu.memory_space<hbm>> -> memref<100000x512xf32, #tpu.memory_space<hbm>>
    tpu.wait_indirect_dma semaphore(%arg15 : memref<!tpu.dma_semaphore, #tpu.memory_space<semaphore_mem>>) src(%arg9 : memref<64x512xf32, #tpu.memory_space<vmem>>) dst(%dma_wait3A_180 : memref<100000x512xf32, #tpu.memory_space<hbm>>)
    return
  }
}

#map = affine_map<(d0, d1) -> (0, 0)>
module attributes {stable_mosaic.version = 14 : i64} {
  func.func @bulk_copy(%arg0: i32, %arg1: i32, %arg2: memref<100000x512xf32, #tpu.memory_space<hbm>>, %arg3: memref<100000x512xf32, #tpu.memory_space<hbm>>, %arg4: memref<2x120x512xf32, #tpu.memory_space<vmem>>, %arg5: memref<!tpu.dma_semaphore, #tpu.memory_space<semaphore_mem>>, %arg6: memref<!tpu.dma_semaphore, #tpu.memory_space<semaphore_mem>>) attributes {dimension_semantics = [#tpu.dimension_semantics<core_parallel>, #tpu.dimension_semantics<subcore_parallel>], iteration_bounds = array<i64: 2, 16>, scalar_prefetch = 0 : i64, scratch_operands = 3 : i64, tpu.core_type = #tpu.core_type<sc_vector_subcore>, window_params = [{transform_indices = #map}, {transform_indices = #map}]} {
    %mul3A = arith.constant 2 : i32
    %mul3A_0 = arith.muli %arg1, %mul3A : i32
    %add3A = arith.addi %mul3A_0, %arg0 : i32
    %mul3A_1 = arith.constant 3120 : i32
    %mul3A_2 = arith.muli %add3A, %mul3A_1 : i32
    %add3A_3 = arith.constant 0 : i32
    %add3A_4 = arith.addi %mul3A_2, %add3A_3 : i32
    %dma_start3A = arith.constant 0 : i32
    %dma_start3A_5 = arith.constant 0 : i32
    %dma_start3A_6 = arith.constant 0 : i32
    %dma_start3A_7 = tpu.memref_slice %arg4[%dma_start3A, %dma_start3A_5, %dma_start3A_6] : memref<2x120x512xf32, #tpu.memory_space<vmem>> -> memref<1x120x512xf32, #tpu.memory_space<vmem>>
    %dma_start3A_8 = tpu.memref_squeeze %dma_start3A_7 : memref<1x120x512xf32, #tpu.memory_space<vmem>> -> memref<120x512xf32, #tpu.memory_space<vmem>>
    %dma_start3A_9 = arith.constant 0 : i32
    %dma_start3A_10 = tpu.memref_slice %arg2[%add3A_4, %dma_start3A_9] : memref<100000x512xf32, #tpu.memory_space<hbm>> -> memref<120x512xf32, #tpu.memory_space<hbm>>
    %dma_start3A_11 = arith.constant 0 : i32
    %dma_start3A_12 = arith.constant 0 : i32
    %dma_start3A_13 = tpu.memref_slice %arg4[%dma_start3A, %dma_start3A_11, %dma_start3A_12] : memref<2x120x512xf32, #tpu.memory_space<vmem>> -> memref<1x120x512xf32, #tpu.memory_space<vmem>>
    %dma_start3A_14 = tpu.memref_squeeze %dma_start3A_13 : memref<1x120x512xf32, #tpu.memory_space<vmem>> -> memref<120x512xf32, #tpu.memory_space<vmem>>
    %dma_start3A_15 = arith.constant 0 : i32
    %dma_start3A_16 = tpu.memref_slice %arg2[%add3A_4, %dma_start3A_15] : memref<100000x512xf32, #tpu.memory_space<hbm>> -> memref<120x512xf32, #tpu.memory_space<hbm>>
    tpu.enqueue_dma source(%dma_start3A_16 : memref<120x512xf32, #tpu.memory_space<hbm>>) target(%dma_start3A_14 : memref<120x512xf32, #tpu.memory_space<vmem>>) target_semaphore(%arg5 : memref<!tpu.dma_semaphore, #tpu.memory_space<semaphore_mem>>)
    %scan3A = arith.constant 0 : i32
    %scan3A_17 = arith.constant 0 : i32
    %scan3A_18 = arith.constant 26 : i32
    %scan3A_19 = arith.addi %scan3A_17, %scan3A_18 : i32
    %scan3A_20 = arith.constant 1 : i32
    scf.for %scan3A_38 = %scan3A_17 to %scan3A_19 step %scan3A_20  : i32 {
      %jit3A = arith.constant 2 : i32
      %eq3A_39 = arith.constant 0 : i32
      %eq3A_40 = arith.cmpi eq, %jit3A, %eq3A_39 : i32
      %jit3A_41 = arith.constant 1 : i32
      %select_n3A = arith.select %eq3A_40, %jit3A_41, %jit3A : i32
      %rem3A = arith.remsi %scan3A_38, %select_n3A : i32
      %ne3A = arith.constant 0 : i32
      %ne3A_42 = arith.cmpi ne, %rem3A, %ne3A : i32
      %lt3A = arith.constant 0 : i32
      %lt3A_43 = arith.cmpi slt, %rem3A, %lt3A : i32
      %lt3A_44 = arith.constant 0 : i32
      %lt3A_45 = arith.cmpi slt, %select_n3A, %lt3A_44 : i32
      %ne3A_46 = arith.xori %lt3A_43, %lt3A_45 : i1
      %and3A = arith.andi %ne3A_46, %ne3A_42 : i1
      %add3A_47 = arith.addi %rem3A, %select_n3A : i32
      %select_n3A_48 = arith.select %and3A, %add3A_47, %rem3A : i32
      %mul3A_49 = arith.constant 120 : i32
      %mul3A_50 = arith.muli %scan3A_38, %mul3A_49 : i32
      %add3A_51 = arith.addi %mul3A_2, %mul3A_50 : i32
      %dma_wait3A_52 = arith.constant 0 : i32
      %dma_wait3A_53 = arith.constant 0 : i32
      %dma_wait3A_54 = tpu.memref_slice %arg4[%select_n3A_48, %dma_wait3A_52, %dma_wait3A_53] : memref<2x120x512xf32, #tpu.memory_space<vmem>> -> memref<1x120x512xf32, #tpu.memory_space<vmem>>
      %dma_wait3A_55 = tpu.memref_squeeze %dma_wait3A_54 : memref<1x120x512xf32, #tpu.memory_space<vmem>> -> memref<120x512xf32, #tpu.memory_space<vmem>>
      %dma_wait3A_56 = arith.constant 0 : i32
      %dma_wait3A_57 = tpu.memref_slice %arg2[%add3A_51, %dma_wait3A_56] : memref<100000x512xf32, #tpu.memory_space<hbm>> -> memref<120x512xf32, #tpu.memory_space<hbm>>
      %dma_wait3A_58 = arith.constant 0 : i32
      %dma_wait3A_59 = arith.constant 0 : i32
      %dma_wait3A_60 = tpu.memref_slice %arg4[%select_n3A_48, %dma_wait3A_58, %dma_wait3A_59] : memref<2x120x512xf32, #tpu.memory_space<vmem>> -> memref<1x120x512xf32, #tpu.memory_space<vmem>>
      %dma_wait3A_61 = tpu.memref_squeeze %dma_wait3A_60 : memref<1x120x512xf32, #tpu.memory_space<vmem>> -> memref<120x512xf32, #tpu.memory_space<vmem>>
      %dma_wait3A_62 = arith.constant 0 : i32
      %dma_wait3A_63 = tpu.memref_slice %arg2[%add3A_51, %dma_wait3A_62] : memref<100000x512xf32, #tpu.memory_space<hbm>> -> memref<120x512xf32, #tpu.memory_space<hbm>>
      tpu.wait_dma2 semaphore(%arg5 : memref<!tpu.dma_semaphore, #tpu.memory_space<semaphore_mem>>) src(%dma_wait3A_63 : memref<120x512xf32, #tpu.memory_space<hbm>>) dst(%dma_wait3A_61 : memref<120x512xf32, #tpu.memory_space<vmem>>)
      %ge3A = arith.constant 1 : i32
      %ge3A_64 = arith.cmpi sge, %scan3A_38, %ge3A : i32
      %convert_element_type3A_65 = arith.extui %ge3A_64 : i1 to i32
      %cond3A_66 = arith.constant 0 : i32
      %cond3A_67 = arith.cmpi ne, %convert_element_type3A_65, %cond3A_66 : i32
      scf.if %cond3A_67 {
        %sub3A = arith.constant 1 : i32
        %sub3A_90 = arith.subi %sub3A, %select_n3A_48 : i32
        %sub3A_91 = arith.constant 1 : i32
        %sub3A_92 = arith.subi %scan3A_38, %sub3A_91 : i32
        %mul3A_93 = arith.constant 120 : i32
        %mul3A_94 = arith.muli %sub3A_92, %mul3A_93 : i32
        %add3A_95 = arith.addi %mul3A_2, %mul3A_94 : i32
        %dma_wait3A_96 = arith.constant 0 : i32
        %dma_wait3A_97 = arith.constant 0 : i32
        %dma_wait3A_98 = tpu.memref_slice %arg4[%sub3A_90, %dma_wait3A_96, %dma_wait3A_97] : memref<2x120x512xf32, #tpu.memory_space<vmem>> -> memref<1x120x512xf32, #tpu.memory_space<vmem>>
        %dma_wait3A_99 = tpu.memref_squeeze %dma_wait3A_98 : memref<1x120x512xf32, #tpu.memory_space<vmem>> -> memref<120x512xf32, #tpu.memory_space<vmem>>
        %dma_wait3A_100 = arith.constant 0 : i32
        %dma_wait3A_101 = tpu.memref_slice %arg3[%add3A_95, %dma_wait3A_100] : memref<100000x512xf32, #tpu.memory_space<hbm>> -> memref<120x512xf32, #tpu.memory_space<hbm>>
        %dma_wait3A_102 = arith.constant 0 : i32
        %dma_wait3A_103 = tpu.memref_slice %arg3[%add3A_95, %dma_wait3A_102] : memref<100000x512xf32, #tpu.memory_space<hbm>> -> memref<120x512xf32, #tpu.memory_space<hbm>>
        %dma_wait3A_104 = arith.constant 0 : i32
        %dma_wait3A_105 = arith.constant 0 : i32
        %dma_wait3A_106 = tpu.memref_slice %arg4[%sub3A_90, %dma_wait3A_104, %dma_wait3A_105] : memref<2x120x512xf32, #tpu.memory_space<vmem>> -> memref<1x120x512xf32, #tpu.memory_space<vmem>>
        %dma_wait3A_107 = tpu.memref_squeeze %dma_wait3A_106 : memref<1x120x512xf32, #tpu.memory_space<vmem>> -> memref<120x512xf32, #tpu.memory_space<vmem>>
        tpu.wait_dma2 semaphore(%arg6 : memref<!tpu.dma_semaphore, #tpu.memory_space<semaphore_mem>>) src(%dma_wait3A_107 : memref<120x512xf32, #tpu.memory_space<vmem>>) dst(%dma_wait3A_103 : memref<120x512xf32, #tpu.memory_space<hbm>>)
      } else {
      }
      %add3A_68 = arith.constant 1 : i32
      %add3A_69 = arith.addi %scan3A_38, %add3A_68 : i32
      %lt3A_70 = arith.constant 26 : i32
      %lt3A_71 = arith.cmpi slt, %add3A_69, %lt3A_70 : i32
      %convert_element_type3A_72 = arith.extui %lt3A_71 : i1 to i32
      %cond3A_73 = arith.constant 0 : i32
      %cond3A_74 = arith.cmpi ne, %convert_element_type3A_72, %cond3A_73 : i32
      scf.if %cond3A_74 {
        %add3A_90 = arith.constant 1 : i32
        %add3A_91 = arith.addi %scan3A_38, %add3A_90 : i32
        %mul3A_92 = arith.constant 120 : i32
        %mul3A_93 = arith.muli %add3A_91, %mul3A_92 : i32
        %add3A_94 = arith.addi %mul3A_2, %mul3A_93 : i32
        %sub3A = arith.constant 1 : i32
        %sub3A_95 = arith.subi %sub3A, %select_n3A_48 : i32
        %dma_start3A_96 = arith.constant 0 : i32
        %dma_start3A_97 = arith.constant 0 : i32
        %dma_start3A_98 = tpu.memref_slice %arg4[%sub3A_95, %dma_start3A_96, %dma_start3A_97] : memref<2x120x512xf32, #tpu.memory_space<vmem>> -> memref<1x120x512xf32, #tpu.memory_space<vmem>>
        %dma_start3A_99 = tpu.memref_squeeze %dma_start3A_98 : memref<1x120x512xf32, #tpu.memory_space<vmem>> -> memref<120x512xf32, #tpu.memory_space<vmem>>
        %dma_start3A_100 = arith.constant 0 : i32
        %dma_start3A_101 = tpu.memref_slice %arg2[%add3A_94, %dma_start3A_100] : memref<100000x512xf32, #tpu.memory_space<hbm>> -> memref<120x512xf32, #tpu.memory_space<hbm>>
        %dma_start3A_102 = arith.constant 0 : i32
        %dma_start3A_103 = arith.constant 0 : i32
        %dma_start3A_104 = tpu.memref_slice %arg4[%sub3A_95, %dma_start3A_102, %dma_start3A_103] : memref<2x120x512xf32, #tpu.memory_space<vmem>> -> memref<1x120x512xf32, #tpu.memory_space<vmem>>
        %dma_start3A_105 = tpu.memref_squeeze %dma_start3A_104 : memref<1x120x512xf32, #tpu.memory_space<vmem>> -> memref<120x512xf32, #tpu.memory_space<vmem>>
        %dma_start3A_106 = arith.constant 0 : i32
        %dma_start3A_107 = tpu.memref_slice %arg2[%add3A_94, %dma_start3A_106] : memref<100000x512xf32, #tpu.memory_space<hbm>> -> memref<120x512xf32, #tpu.memory_space<hbm>>
        tpu.enqueue_dma source(%dma_start3A_107 : memref<120x512xf32, #tpu.memory_space<hbm>>) target(%dma_start3A_105 : memref<120x512xf32, #tpu.memory_space<vmem>>) target_semaphore(%arg5 : memref<!tpu.dma_semaphore, #tpu.memory_space<semaphore_mem>>)
      } else {
      }
      %mul3A_75 = arith.constant 120 : i32
      %mul3A_76 = arith.muli %scan3A_38, %mul3A_75 : i32
      %add3A_77 = arith.addi %mul3A_2, %mul3A_76 : i32
      %dma_start3A_78 = arith.constant 0 : i32
      %dma_start3A_79 = arith.constant 0 : i32
      %dma_start3A_80 = tpu.memref_slice %arg4[%select_n3A_48, %dma_start3A_78, %dma_start3A_79] : memref<2x120x512xf32, #tpu.memory_space<vmem>> -> memref<1x120x512xf32, #tpu.memory_space<vmem>>
      %dma_start3A_81 = tpu.memref_squeeze %dma_start3A_80 : memref<1x120x512xf32, #tpu.memory_space<vmem>> -> memref<120x512xf32, #tpu.memory_space<vmem>>
      %dma_start3A_82 = arith.constant 0 : i32
      %dma_start3A_83 = tpu.memref_slice %arg3[%add3A_77, %dma_start3A_82] : memref<100000x512xf32, #tpu.memory_space<hbm>> -> memref<120x512xf32, #tpu.memory_space<hbm>>
      %dma_start3A_84 = arith.constant 0 : i32
      %dma_start3A_85 = tpu.memref_slice %arg3[%add3A_77, %dma_start3A_84] : memref<100000x512xf32, #tpu.memory_space<hbm>> -> memref<120x512xf32, #tpu.memory_space<hbm>>
      %dma_start3A_86 = arith.constant 0 : i32
      %dma_start3A_87 = arith.constant 0 : i32
      %dma_start3A_88 = tpu.memref_slice %arg4[%select_n3A_48, %dma_start3A_86, %dma_start3A_87] : memref<2x120x512xf32, #tpu.memory_space<vmem>> -> memref<1x120x512xf32, #tpu.memory_space<vmem>>
      %dma_start3A_89 = tpu.memref_squeeze %dma_start3A_88 : memref<1x120x512xf32, #tpu.memory_space<vmem>> -> memref<120x512xf32, #tpu.memory_space<vmem>>
      tpu.enqueue_dma source(%dma_start3A_89 : memref<120x512xf32, #tpu.memory_space<vmem>>) target(%dma_start3A_85 : memref<120x512xf32, #tpu.memory_space<hbm>>) target_semaphore(%arg6 : memref<!tpu.dma_semaphore, #tpu.memory_space<semaphore_mem>>)
    }
    %scan3A_21 = arith.constant 26 : i32
    %add3A_22 = arith.constant 3000 : i32
    %add3A_23 = arith.addi %mul3A_2, %add3A_22 : i32
    %dma_wait3A = arith.constant 1 : i32
    %dma_wait3A_24 = arith.constant 0 : i32
    %dma_wait3A_25 = arith.constant 0 : i32
    %dma_wait3A_26 = tpu.memref_slice %arg4[%dma_wait3A, %dma_wait3A_24, %dma_wait3A_25] : memref<2x120x512xf32, #tpu.memory_space<vmem>> -> memref<1x120x512xf32, #tpu.memory_space<vmem>>
    %dma_wait3A_27 = tpu.memref_squeeze %dma_wait3A_26 : memref<1x120x512xf32, #tpu.memory_space<vmem>> -> memref<120x512xf32, #tpu.memory_space<vmem>>
    %dma_wait3A_28 = arith.constant 0 : i32
    %dma_wait3A_29 = tpu.memref_slice %arg3[%add3A_23, %dma_wait3A_28] : memref<100000x512xf32, #tpu.memory_space<hbm>> -> memref<120x512xf32, #tpu.memory_space<hbm>>
    %dma_wait3A_30 = arith.constant 0 : i32
    %dma_wait3A_31 = tpu.memref_slice %arg3[%add3A_23, %dma_wait3A_30] : memref<100000x512xf32, #tpu.memory_space<hbm>> -> memref<120x512xf32, #tpu.memory_space<hbm>>
    %dma_wait3A_32 = arith.constant 0 : i32
    %dma_wait3A_33 = arith.constant 0 : i32
    %dma_wait3A_34 = tpu.memref_slice %arg4[%dma_wait3A, %dma_wait3A_32, %dma_wait3A_33] : memref<2x120x512xf32, #tpu.memory_space<vmem>> -> memref<1x120x512xf32, #tpu.memory_space<vmem>>
    %dma_wait3A_35 = tpu.memref_squeeze %dma_wait3A_34 : memref<1x120x512xf32, #tpu.memory_space<vmem>> -> memref<120x512xf32, #tpu.memory_space<vmem>>
    tpu.wait_dma2 semaphore(%arg6 : memref<!tpu.dma_semaphore, #tpu.memory_space<semaphore_mem>>) src(%dma_wait3A_35 : memref<120x512xf32, #tpu.memory_space<vmem>>) dst(%dma_wait3A_31 : memref<120x512xf32, #tpu.memory_space<hbm>>)
    %eq3A = arith.constant 0 : i32
    %eq3A_36 = arith.cmpi eq, %add3A, %eq3A : i32
    %convert_element_type3A = arith.extui %eq3A_36 : i1 to i32
    %cond3A = arith.constant 0 : i32
    %cond3A_37 = arith.cmpi ne, %convert_element_type3A, %cond3A : i32
    scf.if %cond3A_37 {
      %run_scoped3A = arith.constant 0 : i32
      "tpu.region"() ({
        %run_scoped3A_41 = tpu.sem_alloc : memref<!tpu.dma_semaphore, #tpu.memory_space<semaphore_mem>>
        %dma_start3A_42 = arith.constant 0 : i32
        %dma_start3A_43 = arith.constant 0 : i32
        %dma_start3A_44 = tpu.memref_slice %arg4[%run_scoped3A, %dma_start3A_42, %dma_start3A_43] : memref<2x120x512xf32, #tpu.memory_space<vmem>> -> memref<1x120x512xf32, #tpu.memory_space<vmem>>
        %dma_start3A_45 = tpu.memref_squeeze %dma_start3A_44 : memref<1x120x512xf32, #tpu.memory_space<vmem>> -> memref<120x512xf32, #tpu.memory_space<vmem>>
        %dma_start3A_46 = arith.constant 99840 : i32
        %dma_start3A_47 = arith.constant 0 : i32
        %dma_start3A_48 = tpu.memref_slice %arg2[%dma_start3A_46, %dma_start3A_47] : memref<100000x512xf32, #tpu.memory_space<hbm>> -> memref<120x512xf32, #tpu.memory_space<hbm>>
        %dma_start3A_49 = arith.constant 0 : i32
        %dma_start3A_50 = arith.constant 0 : i32
        %dma_start3A_51 = tpu.memref_slice %arg4[%run_scoped3A, %dma_start3A_49, %dma_start3A_50] : memref<2x120x512xf32, #tpu.memory_space<vmem>> -> memref<1x120x512xf32, #tpu.memory_space<vmem>>
        %dma_start3A_52 = tpu.memref_squeeze %dma_start3A_51 : memref<1x120x512xf32, #tpu.memory_space<vmem>> -> memref<120x512xf32, #tpu.memory_space<vmem>>
        %dma_start3A_53 = arith.constant 99840 : i32
        %dma_start3A_54 = arith.constant 0 : i32
        %dma_start3A_55 = tpu.memref_slice %arg2[%dma_start3A_53, %dma_start3A_54] : memref<100000x512xf32, #tpu.memory_space<hbm>> -> memref<120x512xf32, #tpu.memory_space<hbm>>
        tpu.enqueue_dma source(%dma_start3A_55 : memref<120x512xf32, #tpu.memory_space<hbm>>) target(%dma_start3A_52 : memref<120x512xf32, #tpu.memory_space<vmem>>) target_semaphore(%run_scoped3A_41 : memref<!tpu.dma_semaphore, #tpu.memory_space<semaphore_mem>>)
        %dma_wait3A_56 = arith.constant 0 : i32
        %dma_wait3A_57 = arith.constant 0 : i32
        %dma_wait3A_58 = tpu.memref_slice %arg4[%run_scoped3A, %dma_wait3A_56, %dma_wait3A_57] : memref<2x120x512xf32, #tpu.memory_space<vmem>> -> memref<1x120x512xf32, #tpu.memory_space<vmem>>
        %dma_wait3A_59 = tpu.memref_squeeze %dma_wait3A_58 : memref<1x120x512xf32, #tpu.memory_space<vmem>> -> memref<120x512xf32, #tpu.memory_space<vmem>>
        %dma_wait3A_60 = arith.constant 99840 : i32
        %dma_wait3A_61 = arith.constant 0 : i32
        %dma_wait3A_62 = tpu.memref_slice %arg2[%dma_wait3A_60, %dma_wait3A_61] : memref<100000x512xf32, #tpu.memory_space<hbm>> -> memref<120x512xf32, #tpu.memory_space<hbm>>
        %dma_wait3A_63 = arith.constant 0 : i32
        %dma_wait3A_64 = arith.constant 0 : i32
        %dma_wait3A_65 = tpu.memref_slice %arg4[%run_scoped3A, %dma_wait3A_63, %dma_wait3A_64] : memref<2x120x512xf32, #tpu.memory_space<vmem>> -> memref<1x120x512xf32, #tpu.memory_space<vmem>>
        %dma_wait3A_66 = tpu.memref_squeeze %dma_wait3A_65 : memref<1x120x512xf32, #tpu.memory_space<vmem>> -> memref<120x512xf32, #tpu.memory_space<vmem>>
        %dma_wait3A_67 = arith.constant 99840 : i32
        %dma_wait3A_68 = arith.constant 0 : i32
        %dma_wait3A_69 = tpu.memref_slice %arg2[%dma_wait3A_67, %dma_wait3A_68] : memref<100000x512xf32, #tpu.memory_space<hbm>> -> memref<120x512xf32, #tpu.memory_space<hbm>>
        tpu.wait_dma2 semaphore(%run_scoped3A_41 : memref<!tpu.dma_semaphore, #tpu.memory_space<semaphore_mem>>) src(%dma_wait3A_69 : memref<120x512xf32, #tpu.memory_space<hbm>>) dst(%dma_wait3A_66 : memref<120x512xf32, #tpu.memory_space<vmem>>)
        tpu.yield
      }) : () -> ()
      %run_scoped3A_38 = arith.constant 0 : i32
      "tpu.region"() ({
        %run_scoped3A_41 = tpu.sem_alloc : memref<!tpu.dma_semaphore, #tpu.memory_space<semaphore_mem>>
        %dma_start3A_42 = arith.constant 0 : i32
        %dma_start3A_43 = arith.constant 0 : i32
        %dma_start3A_44 = tpu.memref_slice %arg4[%run_scoped3A_38, %dma_start3A_42, %dma_start3A_43] : memref<2x120x512xf32, #tpu.memory_space<vmem>> -> memref<1x120x512xf32, #tpu.memory_space<vmem>>
        %dma_start3A_45 = tpu.memref_squeeze %dma_start3A_44 : memref<1x120x512xf32, #tpu.memory_space<vmem>> -> memref<120x512xf32, #tpu.memory_space<vmem>>
        %dma_start3A_46 = arith.constant 99840 : i32
        %dma_start3A_47 = arith.constant 0 : i32
        %dma_start3A_48 = tpu.memref_slice %arg3[%dma_start3A_46, %dma_start3A_47] : memref<100000x512xf32, #tpu.memory_space<hbm>> -> memref<120x512xf32, #tpu.memory_space<hbm>>
        %dma_start3A_49 = arith.constant 99840 : i32
        %dma_start3A_50 = arith.constant 0 : i32
        %dma_start3A_51 = tpu.memref_slice %arg3[%dma_start3A_49, %dma_start3A_50] : memref<100000x512xf32, #tpu.memory_space<hbm>> -> memref<120x512xf32, #tpu.memory_space<hbm>>
        %dma_start3A_52 = arith.constant 0 : i32
        %dma_start3A_53 = arith.constant 0 : i32
        %dma_start3A_54 = tpu.memref_slice %arg4[%run_scoped3A_38, %dma_start3A_52, %dma_start3A_53] : memref<2x120x512xf32, #tpu.memory_space<vmem>> -> memref<1x120x512xf32, #tpu.memory_space<vmem>>
        %dma_start3A_55 = tpu.memref_squeeze %dma_start3A_54 : memref<1x120x512xf32, #tpu.memory_space<vmem>> -> memref<120x512xf32, #tpu.memory_space<vmem>>
        tpu.enqueue_dma source(%dma_start3A_55 : memref<120x512xf32, #tpu.memory_space<vmem>>) target(%dma_start3A_51 : memref<120x512xf32, #tpu.memory_space<hbm>>) target_semaphore(%run_scoped3A_41 : memref<!tpu.dma_semaphore, #tpu.memory_space<semaphore_mem>>)
        %dma_wait3A_56 = arith.constant 0 : i32
        %dma_wait3A_57 = arith.constant 0 : i32
        %dma_wait3A_58 = tpu.memref_slice %arg4[%run_scoped3A_38, %dma_wait3A_56, %dma_wait3A_57] : memref<2x120x512xf32, #tpu.memory_space<vmem>> -> memref<1x120x512xf32, #tpu.memory_space<vmem>>
        %dma_wait3A_59 = tpu.memref_squeeze %dma_wait3A_58 : memref<1x120x512xf32, #tpu.memory_space<vmem>> -> memref<120x512xf32, #tpu.memory_space<vmem>>
        %dma_wait3A_60 = arith.constant 99840 : i32
        %dma_wait3A_61 = arith.constant 0 : i32
        %dma_wait3A_62 = tpu.memref_slice %arg3[%dma_wait3A_60, %dma_wait3A_61] : memref<100000x512xf32, #tpu.memory_space<hbm>> -> memref<120x512xf32, #tpu.memory_space<hbm>>
        %dma_wait3A_63 = arith.constant 99840 : i32
        %dma_wait3A_64 = arith.constant 0 : i32
        %dma_wait3A_65 = tpu.memref_slice %arg3[%dma_wait3A_63, %dma_wait3A_64] : memref<100000x512xf32, #tpu.memory_space<hbm>> -> memref<120x512xf32, #tpu.memory_space<hbm>>
        %dma_wait3A_66 = arith.constant 0 : i32
        %dma_wait3A_67 = arith.constant 0 : i32
        %dma_wait3A_68 = tpu.memref_slice %arg4[%run_scoped3A_38, %dma_wait3A_66, %dma_wait3A_67] : memref<2x120x512xf32, #tpu.memory_space<vmem>> -> memref<1x120x512xf32, #tpu.memory_space<vmem>>
        %dma_wait3A_69 = tpu.memref_squeeze %dma_wait3A_68 : memref<1x120x512xf32, #tpu.memory_space<vmem>> -> memref<120x512xf32, #tpu.memory_space<vmem>>
        tpu.wait_dma2 semaphore(%run_scoped3A_41 : memref<!tpu.dma_semaphore, #tpu.memory_space<semaphore_mem>>) src(%dma_wait3A_69 : memref<120x512xf32, #tpu.memory_space<vmem>>) dst(%dma_wait3A_65 : memref<120x512xf32, #tpu.memory_space<hbm>>)
        tpu.yield
      }) : () -> ()
      %run_scoped3A_39 = arith.constant 1 : i32
      "tpu.region"() ({
        %run_scoped3A_41 = tpu.sem_alloc : memref<!tpu.dma_semaphore, #tpu.memory_space<semaphore_mem>>
        %dma_start3A_42 = arith.constant 0 : i32
        %dma_start3A_43 = arith.constant 0 : i32
        %dma_start3A_44 = tpu.memref_slice %arg4[%run_scoped3A_39, %dma_start3A_42, %dma_start3A_43] : memref<2x120x512xf32, #tpu.memory_space<vmem>> -> memref<1x40x512xf32, #tpu.memory_space<vmem>>
        %dma_start3A_45 = tpu.memref_squeeze %dma_start3A_44 : memref<1x40x512xf32, #tpu.memory_space<vmem>> -> memref<40x512xf32, #tpu.memory_space<vmem>>
        %dma_start3A_46 = arith.constant 99960 : i32
        %dma_start3A_47 = arith.constant 0 : i32
        %dma_start3A_48 = tpu.memref_slice %arg2[%dma_start3A_46, %dma_start3A_47] : memref<100000x512xf32, #tpu.memory_space<hbm>> -> memref<40x512xf32, #tpu.memory_space<hbm>>
        %dma_start3A_49 = arith.constant 0 : i32
        %dma_start3A_50 = arith.constant 0 : i32
        %dma_start3A_51 = tpu.memref_slice %arg4[%run_scoped3A_39, %dma_start3A_49, %dma_start3A_50] : memref<2x120x512xf32, #tpu.memory_space<vmem>> -> memref<1x40x512xf32, #tpu.memory_space<vmem>>
        %dma_start3A_52 = tpu.memref_squeeze %dma_start3A_51 : memref<1x40x512xf32, #tpu.memory_space<vmem>> -> memref<40x512xf32, #tpu.memory_space<vmem>>
        %dma_start3A_53 = arith.constant 99960 : i32
        %dma_start3A_54 = arith.constant 0 : i32
        %dma_start3A_55 = tpu.memref_slice %arg2[%dma_start3A_53, %dma_start3A_54] : memref<100000x512xf32, #tpu.memory_space<hbm>> -> memref<40x512xf32, #tpu.memory_space<hbm>>
        tpu.enqueue_dma source(%dma_start3A_55 : memref<40x512xf32, #tpu.memory_space<hbm>>) target(%dma_start3A_52 : memref<40x512xf32, #tpu.memory_space<vmem>>) target_semaphore(%run_scoped3A_41 : memref<!tpu.dma_semaphore, #tpu.memory_space<semaphore_mem>>)
        %dma_wait3A_56 = arith.constant 0 : i32
        %dma_wait3A_57 = arith.constant 0 : i32
        %dma_wait3A_58 = tpu.memref_slice %arg4[%run_scoped3A_39, %dma_wait3A_56, %dma_wait3A_57] : memref<2x120x512xf32, #tpu.memory_space<vmem>> -> memref<1x40x512xf32, #tpu.memory_space<vmem>>
        %dma_wait3A_59 = tpu.memref_squeeze %dma_wait3A_58 : memref<1x40x512xf32, #tpu.memory_space<vmem>> -> memref<40x512xf32, #tpu.memory_space<vmem>>
        %dma_wait3A_60 = arith.constant 99960 : i32
        %dma_wait3A_61 = arith.constant 0 : i32
        %dma_wait3A_62 = tpu.memref_slice %arg2[%dma_wait3A_60, %dma_wait3A_61] : memref<100000x512xf32, #tpu.memory_space<hbm>> -> memref<40x512xf32, #tpu.memory_space<hbm>>
        %dma_wait3A_63 = arith.constant 0 : i32
        %dma_wait3A_64 = arith.constant 0 : i32
        %dma_wait3A_65 = tpu.memref_slice %arg4[%run_scoped3A_39, %dma_wait3A_63, %dma_wait3A_64] : memref<2x120x512xf32, #tpu.memory_space<vmem>> -> memref<1x40x512xf32, #tpu.memory_space<vmem>>
        %dma_wait3A_66 = tpu.memref_squeeze %dma_wait3A_65 : memref<1x40x512xf32, #tpu.memory_space<vmem>> -> memref<40x512xf32, #tpu.memory_space<vmem>>
        %dma_wait3A_67 = arith.constant 99960 : i32
        %dma_wait3A_68 = arith.constant 0 : i32
        %dma_wait3A_69 = tpu.memref_slice %arg2[%dma_wait3A_67, %dma_wait3A_68] : memref<100000x512xf32, #tpu.memory_space<hbm>> -> memref<40x512xf32, #tpu.memory_space<hbm>>
        tpu.wait_dma2 semaphore(%run_scoped3A_41 : memref<!tpu.dma_semaphore, #tpu.memory_space<semaphore_mem>>) src(%dma_wait3A_69 : memref<40x512xf32, #tpu.memory_space<hbm>>) dst(%dma_wait3A_66 : memref<40x512xf32, #tpu.memory_space<vmem>>)
        tpu.yield
      }) : () -> ()
      %run_scoped3A_40 = arith.constant 1 : i32
      "tpu.region"() ({
        %run_scoped3A_41 = tpu.sem_alloc : memref<!tpu.dma_semaphore, #tpu.memory_space<semaphore_mem>>
        %dma_start3A_42 = arith.constant 0 : i32
        %dma_start3A_43 = arith.constant 0 : i32
        %dma_start3A_44 = tpu.memref_slice %arg4[%run_scoped3A_40, %dma_start3A_42, %dma_start3A_43] : memref<2x120x512xf32, #tpu.memory_space<vmem>> -> memref<1x40x512xf32, #tpu.memory_space<vmem>>
        %dma_start3A_45 = tpu.memref_squeeze %dma_start3A_44 : memref<1x40x512xf32, #tpu.memory_space<vmem>> -> memref<40x512xf32, #tpu.memory_space<vmem>>
        %dma_start3A_46 = arith.constant 99960 : i32
        %dma_start3A_47 = arith.constant 0 : i32
        %dma_start3A_48 = tpu.memref_slice %arg3[%dma_start3A_46, %dma_start3A_47] : memref<100000x512xf32, #tpu.memory_space<hbm>> -> memref<40x512xf32, #tpu.memory_space<hbm>>
        %dma_start3A_49 = arith.constant 99960 : i32
        %dma_start3A_50 = arith.constant 0 : i32
        %dma_start3A_51 = tpu.memref_slice %arg3[%dma_start3A_49, %dma_start3A_50] : memref<100000x512xf32, #tpu.memory_space<hbm>> -> memref<40x512xf32, #tpu.memory_space<hbm>>
        %dma_start3A_52 = arith.constant 0 : i32
        %dma_start3A_53 = arith.constant 0 : i32
        %dma_start3A_54 = tpu.memref_slice %arg4[%run_scoped3A_40, %dma_start3A_52, %dma_start3A_53] : memref<2x120x512xf32, #tpu.memory_space<vmem>> -> memref<1x40x512xf32, #tpu.memory_space<vmem>>
        %dma_start3A_55 = tpu.memref_squeeze %dma_start3A_54 : memref<1x40x512xf32, #tpu.memory_space<vmem>> -> memref<40x512xf32, #tpu.memory_space<vmem>>
        tpu.enqueue_dma source(%dma_start3A_55 : memref<40x512xf32, #tpu.memory_space<vmem>>) target(%dma_start3A_51 : memref<40x512xf32, #tpu.memory_space<hbm>>) target_semaphore(%run_scoped3A_41 : memref<!tpu.dma_semaphore, #tpu.memory_space<semaphore_mem>>)
        %dma_wait3A_56 = arith.constant 0 : i32
        %dma_wait3A_57 = arith.constant 0 : i32
        %dma_wait3A_58 = tpu.memref_slice %arg4[%run_scoped3A_40, %dma_wait3A_56, %dma_wait3A_57] : memref<2x120x512xf32, #tpu.memory_space<vmem>> -> memref<1x40x512xf32, #tpu.memory_space<vmem>>
        %dma_wait3A_59 = tpu.memref_squeeze %dma_wait3A_58 : memref<1x40x512xf32, #tpu.memory_space<vmem>> -> memref<40x512xf32, #tpu.memory_space<vmem>>
        %dma_wait3A_60 = arith.constant 99960 : i32
        %dma_wait3A_61 = arith.constant 0 : i32
        %dma_wait3A_62 = tpu.memref_slice %arg3[%dma_wait3A_60, %dma_wait3A_61] : memref<100000x512xf32, #tpu.memory_space<hbm>> -> memref<40x512xf32, #tpu.memory_space<hbm>>
        %dma_wait3A_63 = arith.constant 99960 : i32
        %dma_wait3A_64 = arith.constant 0 : i32
        %dma_wait3A_65 = tpu.memref_slice %arg3[%dma_wait3A_63, %dma_wait3A_64] : memref<100000x512xf32, #tpu.memory_space<hbm>> -> memref<40x512xf32, #tpu.memory_space<hbm>>
        %dma_wait3A_66 = arith.constant 0 : i32
        %dma_wait3A_67 = arith.constant 0 : i32
        %dma_wait3A_68 = tpu.memref_slice %arg4[%run_scoped3A_40, %dma_wait3A_66, %dma_wait3A_67] : memref<2x120x512xf32, #tpu.memory_space<vmem>> -> memref<1x40x512xf32, #tpu.memory_space<vmem>>
        %dma_wait3A_69 = tpu.memref_squeeze %dma_wait3A_68 : memref<1x40x512xf32, #tpu.memory_space<vmem>> -> memref<40x512xf32, #tpu.memory_space<vmem>>
        tpu.wait_dma2 semaphore(%run_scoped3A_41 : memref<!tpu.dma_semaphore, #tpu.memory_space<semaphore_mem>>) src(%dma_wait3A_69 : memref<40x512xf32, #tpu.memory_space<vmem>>) dst(%dma_wait3A_65 : memref<40x512xf32, #tpu.memory_space<hbm>>)
        tpu.yield
      }) : () -> ()
    } else {
    }
    return
  }
}

</mosaic_0001>

<sc_bundles>
// kernel: kernel.4.cloned.1.call-start
scs
__scs_entry_jumppad:
0x0: {  	(pc) =	sbr.rel $0x88, $3  }
0x1: {  	(tag) =	ssettag $0x0;
	lr =	simm.s32 $0x1  }
0x2: {  	[smem:$0x3F9C] =	sst lr;
	_ =	strace $0xD0000000  }
0x3: {  	_ = 	snop  }
0x4: {  	_ = 	snop  }
0x5: {  	_ = 	snop  }
0x6: {  	_ = 	snop  }
0x7: {  	_ = 	snop  }
__scs_overlays_trampoline_lowered:
0x8: {  	[smem:$0x3FAB] =	sst s0  }
0x9: {  	[smem:$0x3FAC] =	sst s1  }
0xa: {  	[smem:$0x3FAD] =	sst s2  }
0xb: {  	[smem:$0x3FAE] =	sst s3  }
0xc: {  	[smem:$0x3FAF] =	sst s4  }
0xd: {  	[smem:$0x3FB0] =	sst s5  }
0xe: {  	[smem:$0x3FB1] =	sst s6  }
0xf: {  	[smem:$0x3FB2] =	sst s7  }
0x10: {  	[smem:$0x3FB3] =	sst s8  }
0x11: {  	[smem:$0x3FB4] =	sst s9;
	s0 =	simm.s32 @!p0 $0x0  }
0x12: {  	s1 =	sld [smem:$0x3F9A];
	s0 =	simm.s32 @p0 $0x1  }
0x13: {  	[smem:$0x3FB5] =	sst s0;
	s0 =	simm.s32 @!p1 $0x0  }
0x14: {  	s2 =	sld [smem:$0x3F99];
	s0 =	simm.s32 @p1 $0x1  }
0x15: {  	[smem:$0x3FB6] =	sst s0;
	s0 =	simm.s32 @!p2 $0x0  }
0x16: {  	s3 =	sld [smem:$0x3FDB];
	s0 =	simm.s32 @p2 $0x1  }
0x17: {  	s4 =	simm.s32 $0x1BF5;
	[smem:$0x3FB8] =	sst s0  }
0x18: {  	s0 =	sld [smem:$0x3F9B];
	_ =	swait.ge [sflag:s4], $0x0  }
0x19: {  	s7 =	sld [smem:$0x3F9C]  }
0x1a: {  	s8 =	sadd.s32 $0xFFFFE003, lr  }
0x1b: {  	s9 =	sadd.s32 $0xFFFFFEF7, lr;
	s5 =	simm.s32 $0xFFFFFFFF;
	p2 =	slt.u32 s8, $0xFFFFF086  }
0x1c: {  	p1 =	slt.u32 s9, $0xF7A;
	s5 =	simm.s32 @!p2 $0x0  }
0x1d: {  	s5 =	simm.s32 @p1 $0x1;
	p0 =	seq.s32 s7, s2  }
0x1e: {  	s7 =	smul.u32 @!p0 $0xF7A, s2;
	p2 =	seq.s32 @!p0 s5, $0x0  }
0x1f: {  	s9 =	smul.u32 $0xF7A, s1;
	s8 =	simm.s32 @!p0 $0x1BF5;
	p2 =	por !p2, p0  }
0x20: {  	[sflag:s8] =	ssyncset.s32 @!p0 $0xFFFFF086;
	s6 =	sadd.s32 @!p0 s3, s7;
	s7 =	simm.s32 @!p0 $0x108  }
0x21: {  	s3 =	sadd.s32 s3, s9;
	s6 =	sadd.s32 @!p0 $0x88, s6;
	s7 =	simm.s32 @p2 $0x1082  }
0x22: {  	[simem:s7], [sflag:s8] =	dma.local @!p0 [hbm:s6], $0xF7A  }
0x23: {  	s9 =	sor.u32 $0xD0000000, s2;
	s6 =	simm.s32 $0x108;
	_ =	swait.ge @!p0 [sflag:s8], $0x0  }
0x24: {  	s3 =	sadd.s32 $0x88, s3;
	s6 =	simm.s32 @!p1 $0x1082;
	[sflag:s4] =	ssyncset.s32 $0xFFFFF086  }
0x25: {  	[simem:s6], [sflag:s4] =	dma.local [hbm:s3], $0xF7A  }
0x26: {  	[smem:$0x3F9C] =	sst s1;
	(tag) =	ssettag s2;
	_ =	strace s9  }
0x27: {  	s1 =	sld [smem:$0x3FAC]  }
0x28: {  	s2 =	sld [smem:$0x3FAD]  }
0x29: {  	s4 =	sld [smem:$0x3FAF]  }
0x2a: {  	p0 =	seq.s32 s5, $0x0;
	s5 =	sld [smem:$0x3FB0]  }
0x2b: {  	s6 =	sld [smem:$0x3FB1]  }
0x2c: {  	s7 =	sld [smem:$0x3FB2]  }
0x2d: {  	s3 =	simm.s32 $0x108;
	s8 =	sld [smem:$0x3FB3]  }
0x2e: {  	s3 =	simm.s32 @!p0 $0x1082;
	s9 =	sld [smem:$0x3FB4]  }
0x2f: {  	lr =	sadd.s32 s0, s3;
	s0 =	sld [smem:$0x3FAB]  }
0x30: {  	s3 =	sld [smem:$0x3FAE]  }
0x31: {  	[smem:$0x3FB7] =	sst s10  }
0x32: {  	s10 =	sld [smem:$0x3FB5];
	_ =	sdelay $0x3  }
0x33: {  	p0 =	seq.s32 s10, $0x1;
	s10 =	sld [smem:$0x3FB7];
	_ =	sdelay $0x3  }
0x34: {  	[smem:$0x3FB7] =	sst s10  }
0x35: {  	s10 =	sld [smem:$0x3FB6];
	_ =	sdelay $0x3  }
0x36: {  	p1 =	seq.s32 s10, $0x1;
	s10 =	sld [smem:$0x3FB7];
	_ =	sdelay $0x3  }
0x37: {  	[smem:$0x3FB7] =	sst s10  }
0x38: {  	s10 =	sld [smem:$0x3FB8]  }
0x39: {  	_ = 	snop;
	(pc) =	sbr.ind lr, $3  }
0x3a: {  	_ = 	snop  }
0x3b: {  	_ = 	snop  }
0x3c: {  	p2 =	seq.s32 s10, $0x1;
	s10 =	sld [smem:$0x3FB7]  }
0x3d: {  	_ =	shalt  }
0x3e: {  	_ =	shalt  }
0x3f: {  	_ =	shalt  }
0x40: {  	_ =	shalt  }
0x41: {  	_ =	shalt  }
0x42: {  	_ =	shalt  }
0x43: {  	_ =	shalt  }
0x44: {  	_ =	shalt  }
0x45: {  	_ =	shalt  }
0x46: {  	_ =	shalt  }
0x47: {  	_ =	shalt  }
0x48: {  	_ =	shalt  }
0x49: {  	_ =	shalt  }
0x4a: {  	_ =	shalt  }
0x4b: {  	_ =	shalt  }
0x4c: {  	_ =	shalt  }
0x4d: {  	_ =	shalt  }
0x4e: {  	_ =	shalt  }
0x4f: {  	_ =	shalt  }
0x50: {  	_ =	shalt  }
0x51: {  	_ =	shalt  }
0x52: {  	_ =	shalt  }
0x53: {  	_ =	shalt  }
0x54: {  	_ =	shalt  }
0x55: {  	_ =	shalt  }
0x56: {  	_ =	shalt  }
0x57: {  	_ =	shalt  }
0x58: {  	_ =	shalt  }
0x59: {  	_ =	shalt  }
0x5a: {  	_ =	shalt  }
0x5b: {  	_ =	shalt  }
0x5c: {  	_ =	shalt  }
0x5d: {  	_ =	shalt  }
0x5e: {  	_ =	shalt  }
0x5f: {  	_ =	shalt  }
0x60: {  	_ =	shalt  }
0x61: {  	_ =	shalt  }
0x62: {  	_ =	shalt  }
0x63: {  	_ =	shalt  }
0x64: {  	_ =	shalt  }
0x65: {  	_ =	shalt  }
0x66: {  	_ =	shalt  }
0x67: {  	_ =	shalt  }
0x68: {  	_ =	shalt  }
0x69: {  	_ =	shalt  }
0x6a: {  	_ =	shalt  }
0x6b: {  	_ =	shalt  }
0x6c: {  	_ =	shalt  }
0x6d: {  	_ =	shalt  }
0x6e: {  	_ =	shalt  }
0x6f: {  	_ =	shalt  }
0x70: {  	_ =	shalt  }
0x71: {  	_ =	shalt  }
0x72: {  	_ =	shalt  }
0x73: {  	_ =	shalt  }
0x74: {  	_ =	shalt  }
0x75: {  	_ =	shalt  }
0x76: {  	_ =	shalt  }
0x77: {  	_ =	shalt  }
0x78: {  	_ =	shalt  }
0x79: {  	_ =	shalt  }
0x7a: {  	_ =	shalt  }
0x7b: {  	_ =	shalt  }
0x7c: {  	_ =	shalt  }
0x7d: {  	_ =	shalt  }
0x7e: {  	_ =	shalt  }
0x7f: {  	_ =	shalt  }
0x80: {  	_ =	shalt  }
0x81: {  	_ =	shalt  }
0x82: {  	_ =	shalt  }
0x83: {  	_ =	shalt  }
0x84: {  	_ =	shalt  }
0x85: {  	_ =	shalt  }
0x86: {  	_ =	shalt  }
0x87: {  	_ =	shalt  }
.Lfunc_end0:
.L_simem_size_0:
called_computation_lowered:
.L_overlay_start_0:
0x88: {  	s2 =	sld [smem:$0x3FD9]  }
0x89: {  	s3 =	sld [smem:$0x3FFE];
	_ =	sdelay $0x1  }
0x8a: {  	s1 =	srdreg.scid  }
0x8b: {  	s0 =	sand.u32 $0x1, s1  }
0x8c: {  	s18 =	sshll.u32 s0, $0xA;
	s2 =	sadd.s32 s3, s2  }
0x8d: {  	s2 =	sadd.s32 s2, s18  }
0x8e: {  	[smem:$0x3FC3] =	sst s2  }
0x8f: {  	_ = 	snop  }
0x90: {  	s2 =	sld [smem:$0x3FC9]  }
0x91: {  	s19 =	sld [smem:$0x3FD0];
	(tm) =	ssettm $0x1  }
0x92: {  	s4 =	sld [smem:$0x3FFB];
	_ =	sdelay $0x3  }
0x93: {  	_ =	strace s4  }
0x94: {  	s4 =	sld [smem:$0x3FFC];
	_ =	sdelay $0x3  }
0x95: {  	_ =	strace s4  }
0x96: {  	s4 =	sld [smem:$0x3FFD];
	_ =	sdelay $0x3  }
0x97: {  	_ =	strace s4  }
0x98: {  	_ =	strace $0x8FFFFFFF  }
0x99: {  	s20 =	sld [smem:$0x3FDB];
	_ =	sdelay $0x1  }
0x9a: {  	s5 =	simm.s32 $_scs_section_size  }
0x9b: {  	s6 =	simm.s32 $_size__tile_overlayer_lowered;
	s7 =	simm.s32 $_tile_overlayer_lowered  }
0x9c: {  	s23 =	simm.s32 $0x1BFF;
	s22 =	sshll.u32 s7, $0x1;
	s4 =	sadd.s32 s5, s20  }
0x9d: {  	s8 =	simm.s32 $0x0;
	s21 =	sshll.u32 s6, $0x1;
	s6 =	sadd.s32 s22, s4  }
0x9e: {  	[timem:s8], [sflag:s23] =	dma.local [hbm:s6], s21  }
0x9f: {  	_ =	swait.ge [sflag:s23], s21  }
0xa0: {  	s5 =	ssub.s32 $0x0, s21;
	[sflag:s23] =	ssyncset.done $0x0  }
0xa1: {  	[sflag:s23] =	ssyncadd.s32 s5;
	_ =	sdelay $0x1  }
0xa2: {  	s24 =	simm.s32 $0x1B8B  }
0xa3: {  	_ =	swait.ge [sflag:s24], $0x1  }
0xa4: {  	[sflag:s24] =	ssyncset.done $0x0  }
0xa5: {  	s25 =	simm.s32 $0x1B8E;
	[sflag:s24] =	ssyncadd.s32 $0xFFFFFFFF  }
0xa6: {  	s26 =	simm.s32 $execute0_lowered;
	[smem:$0x3FD2] =	sst s25  }
0xa7: {  	s5 =	sshll.u32 s26, $0x1;
	_ =	strace $0x80000046;
	[dreg:$0x1] =	wrdreg $0xFFFFFFFF  }
0xa8: {  	s28 =	simm.s32 $_size_execute0_lowered;
	s4 =	sadd.s32 s4, s5;
	[dreg:$0x0] =	wrdreg $0x0  }
0xa9: {  	s5 =	sshll.u32 s28, $0x1;
	[dreg:$0x2] =	wrdreg s4  }
0xaa: {  	[dreg:$0x3] =	wrdreg s5  }
0xab: {  	[dreg:$0x4] =	wrdreg $0xC0  }
0xac: {  	_ =	task [dreg:s8], $0x5FFFF  }
0xad: {  	[dreg:$0x1] =	wrdreg $0xFFFFFFFF  }
0xae: {  	[dreg:$0x0] =	wrdreg $0x60  }
0xaf: {  	[dreg:$0x2] =	wrdreg s2  }
0xb0: {  	[dreg:$0x3] =	wrdreg s19  }
0xb1: {  	[dreg:$0x4] =	wrdreg $0x9  }
0xb2: {  	_ =	task.clear_ibuf [dreg:s8], $0x5FFFF;
	_ =	strace $0x90000046  }
0xb3: {  	s29 =	simm.s32 $0x9;
	_ =	strace $0x80000048  }
0xb4: {  	_ =	swait.ge [sflag:s29], $0x1  }
0xb5: {  	[sflag:s29] =	ssyncadd.s32 $0xFFFFFFFF  }
0xb6: {  	_ =	strace $0x90000048  }
0xb7: {  	_ =	sfence  }
0xb8: {  	s30 =	sld [smem:$0x0];
	_ =	sdelay $0x2  }
0xb9: {  	s31 =	sshll.u32 s1, $0xD;
	s1 =	sshrl.u32 s1, $0x2  }
0xba: {  	s3 =	sand.u32 $0x4000, s31;
	s1 =	sadd.s32 s1, s30  }
0xbb: {  	s0 =	sor.u32 s3, s0;
	s1 =	sshll.u32 s1, $0x11  }
0xbc: {  	s0 =	sor.u32 s1, s0  }
0xbd: {  	s0 =	sadd.s32 $0x8F2B, s0  }
0xbe: {  	[sflag:s0] =	ssyncadd.remote.s32 $0x1  }
0xbf: {  	_ =	sfence.sel $0xFFFF  }
0xc0: {  	[dreg:$0x0] =	wrdreg $0xFFFFFFFF;
	(pc) =	sbr.abs _section_cstart, $3  }
0xc1: {  	[dreg:$0x1] =	wrdreg $0xFFFFFFFF  }
0xc2: {  	_ =	task.clear_ibuf [dreg:s8], $0x2FFFF;
	_ =	strace $0x9FFFFFFF  }
0xc3: {  	(tm) =	ssettm $0x7FFFFFFF  }
tec
execute0_lowered:
.L_overlay_start_1:
0x0: {  	(tag) =	ssettag $0x1  }
0x1: {  	s2 =	rddreg [dreg:$0x0]  }
0x2: {  	s1 =	srdreg.scid;
	s0 =	stileid.u32  }
0x3: {  	s3 =	rddreg [dreg:$0x1];
	s4 =	simm.s32 $0x0;
	s12 =	simm.s32 $0x1  }
0x4: {  	s14 =	simm.s32 $0x0;
	s5 =	sand.u32 $0x1, s1;
	s1 =	rddreg [dreg:$0x2]  }
0x5: {  	s6 =	sshll.u32 s0, $0x1;
	[smem:$0x7FF] =	sst s4;
	s8 =	sadd.s32 $0x618000, s3  }
.Ltmp0:
0x6: {  	s9 =	sadd.s32 $0x619E00, s2;
	s10 =	sadd.s32 $0x619E00, s3;
	(pc) =	sbr.rel .LBB2_1-.Ltmp0, $4  }
0x7: {  	s13 =	sor.u32 s5, s6;
	s5 =	ssub.s32 $0x2, s5;
	_ =	strace $0x80000047  }
0x8: {  	s6 =	smul.u32 $0x30C00, s13;
	s7 =	sshrl.u32 s5, $0x1;
	p0 =	sne.s32 s13, $0x0  }
0x9: {  	s11 =	ssub.s32 s5, s7;
	s5 =	smul.u32 $0xC30, s13;
	s7 =	sadd.s32 $0x618000, s2  }
0xa: {  	s13 =	simm.s32 $0x2;
	s6 =	sadd.s32 s2, s6;
	s11 =	smax.u32 s11, $0x1  }
.LBB2_5:
0xb: {  	_ =	swait.ge [sflag:s13], $0xF000  }
0xc: {  	[sflag:s13] =	ssyncset.done $0x0  }
0xd: {  	s15 =	simm.s32 @!p0 $0x0;
	s16 =	simm.s32 @!p0 $0x3;
	[sflag:s13] =	ssyncadd.s32 $0xFFFF1000  }
0xe: {  	[tilespmem:s15], [sflag:$0x3] =	stream.linear.gather @!p0 [hbm4b:s7+s15], $0xF000, $0x38;
	[tilespmem:$0x1E000] =	vst v63  }
0xf: {  	_ =	swait.ge @!p0 [sflag:s16], $0xF000  }
0x10: {  	[sflag:s16] =	ssyncset.done @!p0 $0x0  }
0x11: {  	[sflag:s16] =	ssyncadd.s32 @!p0 $0xFFFF1000  }
0x12: {  	[hbm4b:s8+s15] =	stream.linear.scatter @!p0 [tilespmem:s15], [sflag:$0x3], $0xF000, $0x38;
	[tilespmem:$0x1E000] =	vst v63  }
0x13: {  	_ =	swait.ge @!p0 [sflag:s16], $0xF000  }
0x14: {  	[sflag:s16] =	ssyncset.done @!p0 $0x0  }
0x15: {  	s17 =	simm.s32 @!p0 $0xF000;
	[sflag:s16] =	ssyncadd.s32 @!p0 $0xFFFF1000  }
0x16: {  	[tilespmem:s17], [sflag:$0x3] =	stream.linear.gather @!p0 [hbm4b:s9+s15], $0x5000, $0x38;
	[tilespmem:$0x1E000] =	vst v63  }
0x17: {  	s14 =	sadd.s32 $0x1, s14;
	_ =	swait.ge @!p0 [sflag:s16], $0x5000  }
0x18: {  	p1 =	sne.s32 s14, s11;
	[sflag:s16] =	ssyncset.done @!p0 $0x0  }
.Ltmp1:
0x19: {  	[sflag:s16] =	ssyncadd.s32 @!p0 $0xFFFFB000;
	(pc) =	sbr.rel @!p1 .LBB2_6-.Ltmp1, $4  }
0x1a: {  	[hbm4b:s10+s15] =	stream.linear.scatter @!p0 [tilespmem:s17], [sflag:$0x3], $0x5000, $0x38;
	[tilespmem:$0x1E000] =	vst v63  }
0x1b: {  	_ =	swait.ge @!p0 [sflag:s16], $0x5000  }
0x1c: {  	[sflag:s16] =	ssyncset.done @!p0 $0x0  }
0x1d: {  	[sflag:s16] =	ssyncadd.s32 @!p0 $0xFFFFB000  }
.LBB2_1:
.Ltmp2:
0x1e: {  	(pc) =	sbr.rel .LBB2_2-.Ltmp2, $3  }
0x1f: {  	_ =	sdelay $0x1  }
0x20: {  	[tilespmem:s4], [sflag:$0x1] =	stream.linear.gather [hbm4b:s6+s4], $0xF000, $0x38;
	[tilespmem:$0x1E000] =	vst v63  }
0x21: {  	s15 =	simm.s32 $0x0  }
.LBB2_4:
0x22: {  	s15 =	smul.u32 $0x78, s15  }
0x23: {  	s17 =	smul.u32 $0x3C000, s17;
	p1 =	slt.u32 s16, $0x1A  }
.Ltmp3:
0x24: {  	s15 =	sadd.s32 s5, s15;
	(pc) =	sbr.rel @!p1 .LBB2_5-.Ltmp3, $4  }
0x25: {  	s15 =	sshll.u32 s15, $0x6  }
0x26: {  	s17 =	sshrl.u32 s17, $0x2;
	s15 =	sadd.s32 s3, s15  }
0x27: {  	[hbm4b:s15+s4] =	stream.linear.scatter [tilespmem:s17], [sflag:$0x2], $0xF000, $0x38;
	[tilespmem:$0x1E000] =	vst v63  }
0x28: {  	s15 =	smov.u32 s16  }
.LBB2_2:
0x29: {  	p1 =	seq.s32 s15, $0x0  }
0x2a: {  	p2 =	seq.s32 @!p1 s15, $0x19  }
0x2b: {  	_ =	swait.ge [sflag:s12], $0xF000;
	p2 =	por p1, !p2  }
.Ltmp4:
0x2c: {  	[sflag:s12] =	ssyncset.done $0x0;
	(pc) =	sbr.rel @!p2 .LBB2_4-.Ltmp4, $4  }
0x2d: {  	s16 =	simm.s32 @!p1 $0x2;
	[sflag:s12] =	ssyncadd.s32 $0xFFFF1000  }
0x2e: {  	_ =	swait.ge @!p1 [sflag:s16], $0xF000  }
0x2f: {  	[sflag:s16] =	ssyncset.done @!p1 $0x0  }
0x30: {  	s17 =	sand.u32 $0x1, s15;
	[sflag:s16] =	ssyncadd.s32 @!p1 $0xFFFF1000;
	s16 =	simm.s32 @!p1 $0x1A  }
0x31: {  	s16 =	sadd.s32 @!p1 $0x1, s15  }
0x32: {  	s16 =	simm.s32 @p1 $0x1  }
0x33: {  	s18 =	smul.u32 $0x78, s16  }
.Ltmp5:
0x34: {  	s19 =	sxor.u32 $0x1, s17;
	(pc) =	sbr.rel .LBB2_4-.Ltmp5, $4  }
0x35: {  	s19 =	smul.u32 $0x3C000, s19;
	s18 =	sadd.s32 s5, s18  }
0x36: {  	s18 =	sshll.u32 s18, $0x6  }
0x37: {  	s19 =	sshrl.u32 s19, $0x2;
	s18 =	sadd.s32 s2, s18  }
0x38: {  	[tilespmem:s19], [sflag:$0x1] =	stream.linear.gather [hbm4b:s18+s4], $0xF000, $0x38;
	[tilespmem:$0x1E000] =	vst v63  }
.LBB2_6:
0x39: {  	_ =	sfence.sel $0x180000  }
0x3a: {  	[bflag:$0x0] =	sbarrier.arrive $0xFFFF  }
0x3b: {  	p0 =	sne.s32 s0, $0x0;
	_ =	strace $0x90000047  }
0x3c: {  	s0 =	sadd.s32 @!p0 $0x100000, s1;
	[bflag:$0x2] =	sbarrier.arrive $0xFFFF  }
0x3d: {  	[sflag:s0] =	ssyncadd.tile.s32 @!p0 $0x1;
	_ =	shalt  }
.Lfunc_end2:
_tile_overlayer_lowered:
.L_overlay_start_2:
0x3e: {  	(tag) =	ssettag $0x2  }
0x3f: {  	s0 =	rddreg [dreg:$0x0];
	s2 =	stileid.u32  }
0x40: {  	s1 =	rddreg [dreg:$0x1];
	p0 =	sne.s32 s2, $0x0  }
0x41: {  	s3 =	rddreg [dreg:$0x2];
	[bflag:$0x3] =	sbarrier.arrive $0xFFFF;
	s2 =	simm.s32 @!p0 $0x1C03  }
0x42: {  	[timem:s3], [sflag:s2] =	dma.local @!p0 [hbm:s0], s1  }
0x43: {  	s0 =	simm.s32 @!p0 $0x3  }
0x44: {  	_ =	swait.ge @!p0 [sflag:s0], s1  }
0x45: {  	s1 =	ssub.s32 @!p0 $0x0, s1;
	[sflag:s0] =	ssyncset.done @!p0 $0x0  }
0x46: {  	[sflag:s0] =	ssyncadd.s32 @!p0 s1  }
0x47: {  	[bflag:$0x3] =	sbarrier.arrive $0xFFFF  }
0x48: {  	_ =	shalt  }

// kernel: kernel.7.cloned.1.call-start
scs
__scs_entry_jumppad:
0x0: {  	(pc) =	sbr.rel $0x88, $3  }
0x1: {  	(tag) =	ssettag $0x0;
	lr =	simm.s32 $0x1  }
0x2: {  	[smem:$0x3F9C] =	sst lr;
	_ =	strace $0xD0000000  }
0x3: {  	_ = 	snop  }
0x4: {  	_ = 	snop  }
0x5: {  	_ = 	snop  }
0x6: {  	_ = 	snop  }
0x7: {  	_ = 	snop  }
__scs_overlays_trampoline_lowered:
0x8: {  	[smem:$0x3FAB] =	sst s0  }
0x9: {  	[smem:$0x3FAC] =	sst s1  }
0xa: {  	[smem:$0x3FAD] =	sst s2  }
0xb: {  	[smem:$0x3FAE] =	sst s3  }
0xc: {  	[smem:$0x3FAF] =	sst s4  }
0xd: {  	[smem:$0x3FB0] =	sst s5  }
0xe: {  	[smem:$0x3FB1] =	sst s6  }
0xf: {  	[smem:$0x3FB2] =	sst s7  }
0x10: {  	[smem:$0x3FB3] =	sst s8  }
0x11: {  	[smem:$0x3FB4] =	sst s9;
	s0 =	simm.s32 @!p0 $0x0  }
0x12: {  	s1 =	sld [smem:$0x3F9A];
	s0 =	simm.s32 @p0 $0x1  }
0x13: {  	[smem:$0x3FB5] =	sst s0;
	s0 =	simm.s32 @!p1 $0x0  }
0x14: {  	s2 =	sld [smem:$0x3F99];
	s0 =	simm.s32 @p1 $0x1  }
0x15: {  	[smem:$0x3FB6] =	sst s0;
	s0 =	simm.s32 @!p2 $0x0  }
0x16: {  	s3 =	sld [smem:$0x3FDB];
	s0 =	simm.s32 @p2 $0x1  }
0x17: {  	s4 =	simm.s32 $0x1BF5;
	[smem:$0x3FB8] =	sst s0  }
0x18: {  	s0 =	sld [smem:$0x3F9B];
	_ =	swait.ge [sflag:s4], $0x0  }
0x19: {  	s7 =	sld [smem:$0x3F9C]  }
0x1a: {  	s8 =	sadd.s32 $0xFFFFE003, lr  }
0x1b: {  	s9 =	sadd.s32 $0xFFFFFEF7, lr;
	s5 =	simm.s32 $0xFFFFFFFF;
	p2 =	slt.u32 s8, $0xFFFFF086  }
0x1c: {  	p1 =	slt.u32 s9, $0xF7A;
	s5 =	simm.s32 @!p2 $0x0  }
0x1d: {  	s5 =	simm.s32 @p1 $0x1;
	p0 =	seq.s32 s7, s2  }
0x1e: {  	s7 =	smul.u32 @!p0 $0xF7A, s2;
	p2 =	seq.s32 @!p0 s5, $0x0  }
0x1f: {  	s9 =	smul.u32 $0xF7A, s1;
	s8 =	simm.s32 @!p0 $0x1BF5;
	p2 =	por !p2, p0  }
0x20: {  	[sflag:s8] =	ssyncset.s32 @!p0 $0xFFFFF086;
	s6 =	sadd.s32 @!p0 s3, s7;
	s7 =	simm.s32 @!p0 $0x108  }
0x21: {  	s3 =	sadd.s32 s3, s9;
	s6 =	sadd.s32 @!p0 $0x88, s6;
	s7 =	simm.s32 @p2 $0x1082  }
0x22: {  	[simem:s7], [sflag:s8] =	dma.local @!p0 [hbm:s6], $0xF7A  }
0x23: {  	s9 =	sor.u32 $0xD0000000, s2;
	s6 =	simm.s32 $0x108;
	_ =	swait.ge @!p0 [sflag:s8], $0x0  }
0x24: {  	s3 =	sadd.s32 $0x88, s3;
	s6 =	simm.s32 @!p1 $0x1082;
	[sflag:s4] =	ssyncset.s32 $0xFFFFF086  }
0x25: {  	[simem:s6], [sflag:s4] =	dma.local [hbm:s3], $0xF7A  }
0x26: {  	[smem:$0x3F9C] =	sst s1;
	(tag) =	ssettag s2;
	_ =	strace s9  }
0x27: {  	s1 =	sld [smem:$0x3FAC]  }
0x28: {  	s2 =	sld [smem:$0x3FAD]  }
0x29: {  	s4 =	sld [smem:$0x3FAF]  }
0x2a: {  	p0 =	seq.s32 s5, $0x0;
	s5 =	sld [smem:$0x3FB0]  }
0x2b: {  	s6 =	sld [smem:$0x3FB1]  }
0x2c: {  	s7 =	sld [smem:$0x3FB2]  }
0x2d: {  	s3 =	simm.s32 $0x108;
	s8 =	sld [smem:$0x3FB3]  }
0x2e: {  	s3 =	simm.s32 @!p0 $0x1082;
	s9 =	sld [smem:$0x3FB4]  }
0x2f: {  	lr =	sadd.s32 s0, s3;
	s0 =	sld [smem:$0x3FAB]  }
0x30: {  	s3 =	sld [smem:$0x3FAE]  }
0x31: {  	[smem:$0x3FB7] =	sst s10  }
0x32: {  	s10 =	sld [smem:$0x3FB5];
	_ =	sdelay $0x3  }
0x33: {  	p0 =	seq.s32 s10, $0x1;
	s10 =	sld [smem:$0x3FB7];
	_ =	sdelay $0x3  }
0x34: {  	[smem:$0x3FB7] =	sst s10  }
0x35: {  	s10 =	sld [smem:$0x3FB6];
	_ =	sdelay $0x3  }
0x36: {  	p1 =	seq.s32 s10, $0x1;
	s10 =	sld [smem:$0x3FB7];
	_ =	sdelay $0x3  }
0x37: {  	[smem:$0x3FB7] =	sst s10  }
0x38: {  	s10 =	sld [smem:$0x3FB8]  }
0x39: {  	_ = 	snop;
	(pc) =	sbr.ind lr, $3  }
0x3a: {  	_ = 	snop  }
0x3b: {  	_ = 	snop  }
0x3c: {  	p2 =	seq.s32 s10, $0x1;
	s10 =	sld [smem:$0x3FB7]  }
0x3d: {  	_ =	shalt  }
0x3e: {  	_ =	shalt  }
0x3f: {  	_ =	shalt  }
0x40: {  	_ =	shalt  }
0x41: {  	_ =	shalt  }
0x42: {  	_ =	shalt  }
0x43: {  	_ =	shalt  }
0x44: {  	_ =	shalt  }
0x45: {  	_ =	shalt  }
0x46: {  	_ =	shalt  }
0x47: {  	_ =	shalt  }
0x48: {  	_ =	shalt  }
0x49: {  	_ =	shalt  }
0x4a: {  	_ =	shalt  }
0x4b: {  	_ =	shalt  }
0x4c: {  	_ =	shalt  }
0x4d: {  	_ =	shalt  }
0x4e: {  	_ =	shalt  }
0x4f: {  	_ =	shalt  }
0x50: {  	_ =	shalt  }
0x51: {  	_ =	shalt  }
0x52: {  	_ =	shalt  }
0x53: {  	_ =	shalt  }
0x54: {  	_ =	shalt  }
0x55: {  	_ =	shalt  }
0x56: {  	_ =	shalt  }
0x57: {  	_ =	shalt  }
0x58: {  	_ =	shalt  }
0x59: {  	_ =	shalt  }
0x5a: {  	_ =	shalt  }
0x5b: {  	_ =	shalt  }
0x5c: {  	_ =	shalt  }
0x5d: {  	_ =	shalt  }
0x5e: {  	_ =	shalt  }
0x5f: {  	_ =	shalt  }
0x60: {  	_ =	shalt  }
0x61: {  	_ =	shalt  }
0x62: {  	_ =	shalt  }
0x63: {  	_ =	shalt  }
0x64: {  	_ =	shalt  }
0x65: {  	_ =	shalt  }
0x66: {  	_ =	shalt  }
0x67: {  	_ =	shalt  }
0x68: {  	_ =	shalt  }
0x69: {  	_ =	shalt  }
0x6a: {  	_ =	shalt  }
0x6b: {  	_ =	shalt  }
0x6c: {  	_ =	shalt  }
0x6d: {  	_ =	shalt  }
0x6e: {  	_ =	shalt  }
0x6f: {  	_ =	shalt  }
0x70: {  	_ =	shalt  }
0x71: {  	_ =	shalt  }
0x72: {  	_ =	shalt  }
0x73: {  	_ =	shalt  }
0x74: {  	_ =	shalt  }
0x75: {  	_ =	shalt  }
0x76: {  	_ =	shalt  }
0x77: {  	_ =	shalt  }
0x78: {  	_ =	shalt  }
0x79: {  	_ =	shalt  }
0x7a: {  	_ =	shalt  }
0x7b: {  	_ =	shalt  }
0x7c: {  	_ =	shalt  }
0x7d: {  	_ =	shalt  }
0x7e: {  	_ =	shalt  }
0x7f: {  	_ =	shalt  }
0x80: {  	_ =	shalt  }
0x81: {  	_ =	shalt  }
0x82: {  	_ =	shalt  }
0x83: {  	_ =	shalt  }
0x84: {  	_ =	shalt  }
0x85: {  	_ =	shalt  }
0x86: {  	_ =	shalt  }
0x87: {  	_ =	shalt  }
.Lfunc_end0:
.L_simem_size_0:
called_computation.1_lowered:
.L_overlay_start_0:
0x88: {  	s2 =	sld [smem:$0x3FD9]  }
0x89: {  	s3 =	sld [smem:$0x3FFE];
	_ =	sdelay $0x1  }
0x8a: {  	s1 =	srdreg.scid  }
0x8b: {  	s0 =	sand.u32 $0x1, s1  }
0x8c: {  	s17 =	sshll.u32 s0, $0xA;
	s2 =	sadd.s32 s3, s2  }
0x8d: {  	s2 =	sadd.s32 s2, s17  }
0x8e: {  	[smem:$0x3FC3] =	sst s2  }
0x8f: {  	_ = 	snop  }
0x90: {  	s2 =	sld [smem:$0x3FC9]  }
0x91: {  	s18 =	sld [smem:$0x3FD0];
	(tm) =	ssettm $0x1  }
0x92: {  	s4 =	sld [smem:$0x3FFB];
	_ =	sdelay $0x3  }
0x93: {  	_ =	strace s4  }
0x94: {  	s4 =	sld [smem:$0x3FFC];
	_ =	sdelay $0x3  }
0x95: {  	_ =	strace s4  }
0x96: {  	s4 =	sld [smem:$0x3FFD];
	_ =	sdelay $0x3  }
0x97: {  	_ =	strace s4  }
0x98: {  	_ =	strace $0x8FFFFFFF  }
0x99: {  	s19 =	sld [smem:$0x3FDB];
	_ =	sdelay $0x1  }
0x9a: {  	s5 =	simm.s32 $_scs_section_size  }
0x9b: {  	s6 =	simm.s32 $_size__tile_overlayer_lowered;
	s7 =	simm.s32 $_tile_overlayer_lowered  }
0x9c: {  	s22 =	simm.s32 $0x1BFF;
	s21 =	sshll.u32 s7, $0x1;
	s4 =	sadd.s32 s5, s19  }
0x9d: {  	s8 =	simm.s32 $0x0;
	s20 =	sshll.u32 s6, $0x1;
	s6 =	sadd.s32 s21, s4  }
0x9e: {  	[timem:s8], [sflag:s22] =	dma.local [hbm:s6], s20  }
0x9f: {  	_ =	swait.ge [sflag:s22], s20  }
0xa0: {  	s5 =	ssub.s32 $0x0, s20;
	[sflag:s22] =	ssyncset.done $0x0  }
0xa1: {  	[sflag:s22] =	ssyncadd.s32 s5;
	_ =	sdelay $0x1  }
0xa2: {  	s23 =	simm.s32 $0x1B8B  }
0xa3: {  	_ =	swait.ge [sflag:s23], $0x1  }
0xa4: {  	[sflag:s23] =	ssyncset.done $0x0  }
0xa5: {  	s25 =	simm.s32 $0x1B8E;
	s24 =	sld [smem:$0x3FFE];
	[sflag:s23] =	ssyncadd.s32 $0xFFFFFFFF  }
0xa6: {  	s26 =	simm.s32 $execute0_lowered;
	[smem:$0x3FD2] =	sst s25  }
0xa7: {  	s6 =	sshll.u32 s26, $0x1;
	_ =	strace $0x80000049;
	[dreg:$0x1] =	wrdreg $0xFFFFFFFF  }
0xa8: {  	s28 =	simm.s32 $_size_execute0_lowered;
	s4 =	sadd.s32 s4, s6;
	[dreg:$0x0] =	wrdreg $0x0  }
0xa9: {  	s6 =	sshll.u32 s28, $0x1;
	[dreg:$0x2] =	wrdreg s4  }
0xaa: {  	[dreg:$0x3] =	wrdreg s6  }
0xab: {  	[dreg:$0x4] =	wrdreg $0xC0  }
0xac: {  	_ =	task [dreg:s8], $0x5FFFF  }
0xad: {  	[dreg:$0x1] =	wrdreg $0xFFFFFFFF  }
0xae: {  	[dreg:$0x0] =	wrdreg $0x60  }
0xaf: {  	[dreg:$0x2] =	wrdreg s2  }
0xb0: {  	[dreg:$0x3] =	wrdreg s24  }
0xb1: {  	[dreg:$0x4] =	wrdreg s18  }
0xb2: {  	[dreg:$0x5] =	wrdreg $0x9  }
0xb3: {  	_ =	task.clear_ibuf [dreg:s8], $0x6FFFF;
	_ =	strace $0x90000049  }
0xb4: {  	s29 =	simm.s32 $0x9;
	_ =	strace $0x8000004B  }
0xb5: {  	_ =	swait.ge [sflag:s29], $0x1  }
0xb6: {  	[sflag:s29] =	ssyncadd.s32 $0xFFFFFFFF  }
0xb7: {  	_ =	strace $0x9000004B  }
0xb8: {  	_ =	sfence  }
0xb9: {  	s30 =	sld [smem:$0x0];
	_ =	sdelay $0x2  }
0xba: {  	s31 =	sshll.u32 s1, $0xD;
	s1 =	sshrl.u32 s1, $0x2  }
0xbb: {  	s3 =	sand.u32 $0x4000, s31;
	s1 =	sadd.s32 s1, s30  }
0xbc: {  	s0 =	sor.u32 s3, s0;
	s1 =	sshll.u32 s1, $0x11  }
0xbd: {  	s0 =	sor.u32 s1, s0  }
0xbe: {  	s0 =	sadd.s32 $0x8F2B, s0  }
0xbf: {  	[sflag:s0] =	ssyncadd.remote.s32 $0x1  }
0xc0: {  	_ =	sfence.sel $0xFFFF  }
0xc1: {  	[dreg:$0x0] =	wrdreg $0xFFFFFFFF;
	(pc) =	sbr.abs _section_cstart, $3  }
0xc2: {  	[dreg:$0x1] =	wrdreg $0xFFFFFFFF  }
0xc3: {  	_ =	task.clear_ibuf [dreg:s8], $0x2FFFF;
	_ =	strace $0x9FFFFFFF  }
0xc4: {  	(tm) =	ssettm $0x7FFFFFFF  }
0xc5: {  	_ =	shalt  }
tec
execute0_lowered:
.L_overlay_start_1:
0x0: {  	(tag) =	ssettag $0x1  }
0x1: {  	s1 =	rddreg [dreg:$0x0]  }
0x2: {  	s0 =	rddreg [dreg:$0x1]  }
0x3: {  	s3 =	rddreg [dreg:$0x2];
	s4 =	simm.s32 $0x0;
	s2 =	srdreg.scid  }
0x4: {  	s5 =	stileid.u32;
	s24 =	simm.s32 $0x8000;
	s25 =	simm.s32 $0x8800  }
0x5: {  	s26 =	simm.s32 $0x8880;
	s28 =	simm.s32 $0xA900;
	s29 =	simm.s32 $0xB100  }
0x6: {  	s30 =	simm.s32 $0xB900;
	[smem:$0x7FF] =	sst s4;
	s6 =	sadd.s32 $0x3A00, s0  }
0x7: {  	s31 =	simm.s32 $0xC100;
	_ =	strace $0x8000004A;
	[dreg:$0x4] =	wrdreg s6  }
0x8: {  	s2 =	sand.u32 $0x1, s2;
	s5 =	sshll.u32 s5, $0x1;
	[dreg:$0x8] =	wrdreg s24  }
0x9: {  	s5 =	sor.u32 s2, s5;
	s2 =	ssub.s32 $0x2, s2;
	[dreg:$0x9] =	wrdreg s25  }
0xa: {  	[dreg:$0xa] =	wrdreg s26;
	s25 =	simm.s32 $0x9900;
	s26 =	simm.s32 $0xA100  }
0xb: {  	s7 =	sshll.u32 s5, $0x8;
	s5 =	smul.u32 $0xC, s5;
	s22 =	sshrl.u32 s2, $0x1  }
0xc: {  	s21 =	sadd.s32 s7, s0;
	s2 =	ssub.s32 s2, s22;
	s22 =	simm.s32 $0x13900  }
0xd: {  	s0 =	sadd.s32 s5, s0;
	s6 =	sadd.s32 $0x1A00, s21;
	s5 =	sadd.s32 $0x100, s3  }
0xe: {  	v2 =	vlaneseq.u32;
	s7 =	smax.u32 s2, $0x1;
	[dreg:$0x5] =	wrdreg s6;
	s23 =	sadd.s32 $0x1800, s0  }
0xf: {  	vm0 =	vmmov $0xffff;
	v1 =	vshrl.u32 v2, $0x3;
	s0 =	sadd.s32 $0x1600, s0;
	s6 =	sadd.s32 $0x100, s1;
	[dreg:$0x6] =	wrdreg s23  }
0x10: {  	v0 =	vand.u32 $0x7, v2;
	v2 =	vor.u32 $0x8, v2;
	v1 =	vmul.u32 $0x8, v1;
	[dreg:$0x7] =	wrdreg s0;
	s0 =	simm.s32 $0x2;
	s23 =	simm.s32 $0x1  }
.LBB2_1:
0x11: {  	s2 =	rddreg [dreg:$0x4];
	s1 =	simm.s32 $0x3  }
0x12: {  	[tilespmem:s4], [sflag:$0x3] =	stream.linear.gather [hbm4b:s2+s4], $0x8000, $0x38;
	[tilespmem:$0x14900] =	vst v63  }
0x13: {  	_ =	swait.ge [sflag:s1], $0x8000  }
0x14: {  	s21 =	rddreg [dreg:$0x5];
	[sflag:s1] =	ssyncset.done $0x0  }
0x15: {  	s24 =	rddreg [dreg:$0x8];
	[sflag:s1] =	ssyncadd.s32 $0xFFFF8000  }
0x16: {  	[tilespmem:s24], [sflag:$0x3] =	stream.linear.gather [hbm4b:s21+s4], $0x600, $0x38;
	[tilespmem:$0x14900] =	vst v63  }
0x17: {  	_ =	swait.ge [sflag:s1], $0x600  }
0x18: {  	[sflag:s1] =	ssyncset.done $0x0  }
0x19: {  	[sflag:s1] =	ssyncadd.s32 $0xFFFFFA00  }
0x1a: {  	v3 =	vld [tilespmem:$0x8000];
	_ =	sdelay $0x4  }
0x1b: {  	v4 =	vshll.u32 v3, $0x2  }
0x1c: {  	v3 =	vand.u32 $0x7, v3;
	v4 =	vand.u32 $0xFFFFFFE0, v4  }
0x1d: {  	v3 =	vor.u32 v3, v4  }
0x1e: {  	v4 =	vperm.xlane v3, v0;
	_ =	sdelay $0x1  }
0x1f: {  	v4 =	vadd.s32 v1, v4;
	_ =	sdelay $0x1  }
0x20: {  	v3 =	vperm.xlane v3, v2;
	_ =	sdelay $0x1  }
0x21: {  	v3 =	vadd.s32 v1, v3  }
0x22: {  	[hbm4b:s3+s4] =	stream.indirect_vreg.scatter [tilespmem:s4], [sflag:$0x2], $0x80, v4, vm0, $0xb8;
	[tilespmem:$0x14900] =	vst v63  }
0x23: {  	s24 =	simm.s32 $0x800  }
0x24: {  	[hbm4b:s5+s4] =	stream.indirect_vreg.scatter [tilespmem:s24], [sflag:$0x2], $0x80, v4, vm0, $0xb8;
	[tilespmem:$0x14900] =	vst v63  }
0x25: {  	s8 =	simm.s32 $0x1000  }
0x26: {  	[hbm4b:s3+s4] =	stream.indirect_vreg.scatter [tilespmem:s8], [sflag:$0x2], $0x80, v3, vm0, $0xb8;
	[tilespmem:$0x14900] =	vst v63  }
0x27: {  	s9 =	simm.s32 $0x1800  }
0x28: {  	[hbm4b:s5+s4] =	stream.indirect_vreg.scatter [tilespmem:s9], [sflag:$0x2], $0x80, v3, vm0, $0xb8;
	[tilespmem:$0x14900] =	vst v63  }
0x29: {  	v3 =	vld [tilespmem:$0x8010];
	_ =	sdelay $0x4  }
0x2a: {  	v61 =	vshll.u32 v3, $0x2  }
0x2b: {  	v3 =	vand.u32 $0x7, v3;
	v4 =	vand.u32 $0xFFFFFFE0, v61  }
0x2c: {  	v3 =	vor.u32 v3, v4  }
0x2d: {  	v4 =	vperm.xlane v3, v0;
	_ =	sdelay $0x1  }
0x2e: {  	v4 =	vadd.s32 v1, v4;
	_ =	sdelay $0x1  }
0x2f: {  	v3 =	vperm.xlane v3, v2;
	_ =	sdelay $0x1  }
0x30: {  	s10 =	simm.s32 $0x2000;
	v3 =	vadd.s32 v1, v3  }
0x31: {  	[hbm4b:s3+s4] =	stream.indirect_vreg.scatter [tilespmem:s10], [sflag:$0x2], $0x80, v4, vm0, $0xb8;
	[tilespmem:$0x14900] =	vst v63  }
0x32: {  	s11 =	simm.s32 $0x2800  }
0x33: {  	[hbm4b:s5+s4] =	stream.indirect_vreg.scatter [tilespmem:s11], [sflag:$0x2], $0x80, v4, vm0, $0xb8;
	[tilespmem:$0x14900] =	vst v63  }
0x34: {  	s12 =	simm.s32 $0x3000  }
0x35: {  	[hbm4b:s3+s4] =	stream.indirect_vreg.scatter [tilespmem:s12], [sflag:$0x2], $0x80, v3, vm0, $0xb8;
	[tilespmem:$0x14900] =	vst v63  }
0x36: {  	s13 =	simm.s32 $0x3800  }
0x37: {  	[hbm4b:s5+s4] =	stream.indirect_vreg.scatter [tilespmem:s13], [sflag:$0x2], $0x80, v3, vm0, $0xb8;
	[tilespmem:$0x14900] =	vst v63  }
0x38: {  	v3 =	vld [tilespmem:$0x8020];
	_ =	sdelay $0x4  }
0x39: {  	v62 =	vshll.u32 v3, $0x2  }
0x3a: {  	v3 =	vand.u32 $0x7, v3;
	v4 =	vand.u32 $0xFFFFFFE0, v62  }
0x3b: {  	v3 =	vor.u32 v3, v4  }
0x3c: {  	v4 =	vperm.xlane v3, v0;
	_ =	sdelay $0x1  }
0x3d: {  	v4 =	vadd.s32 v1, v4;
	_ =	sdelay $0x1  }
0x3e: {  	v3 =	vperm.xlane v3, v2;
	_ =	sdelay $0x1  }
0x3f: {  	s14 =	simm.s32 $0x4000;
	v3 =	vadd.s32 v1, v3  }
0x40: {  	[hbm4b:s3+s4] =	stream.indirect_vreg.scatter [tilespmem:s14], [sflag:$0x2], $0x80, v4, vm0, $0xb8;
	[tilespmem:$0x14900] =	vst v63  }
0x41: {  	s15 =	simm.s32 $0x4800  }
0x42: {  	[hbm4b:s5+s4] =	stream.indirect_vreg.scatter [tilespmem:s15], [sflag:$0x2], $0x80, v4, vm0, $0xb8;
	[tilespmem:$0x14900] =	vst v63  }
0x43: {  	s16 =	simm.s32 $0x5000  }
0x44: {  	[hbm4b:s3+s4] =	stream.indirect_vreg.scatter [tilespmem:s16], [sflag:$0x2], $0x80, v3, vm0, $0xb8;
	[tilespmem:$0x14900] =	vst v63  }
0x45: {  	s17 =	simm.s32 $0x5800  }
0x46: {  	[hbm4b:s5+s4] =	stream.indirect_vreg.scatter [tilespmem:s17], [sflag:$0x2], $0x80, v3, vm0, $0xb8;
	[tilespmem:$0x14900] =	vst v63  }
0x47: {  	v3 =	vld [tilespmem:$0x8030];
	_ =	sdelay $0x4  }
0x48: {  	v63 =	vshll.u32 v3, $0x2  }
0x49: {  	v3 =	vand.u32 $0x7, v3;
	v4 =	vand.u32 $0xFFFFFFE0, v63  }
0x4a: {  	v3 =	vor.u32 v3, v4  }
0x4b: {  	v4 =	vperm.xlane v3, v0;
	_ =	sdelay $0x1  }
0x4c: {  	v4 =	vadd.s32 v1, v4;
	_ =	sdelay $0x1  }
0x4d: {  	v3 =	vperm.xlane v3, v2;
	_ =	sdelay $0x1  }
0x4e: {  	s18 =	simm.s32 $0x6000;
	v3 =	vadd.s32 v1, v3  }
0x4f: {  	[hbm4b:s3+s4] =	stream.indirect_vreg.scatter [tilespmem:s18], [sflag:$0x2], $0x80, v4, vm0, $0xb8;
	[tilespmem:$0x14900] =	vst v63  }
0x50: {  	s19 =	simm.s32 $0x6800  }
0x51: {  	[hbm4b:s5+s4] =	stream.indirect_vreg.scatter [tilespmem:s19], [sflag:$0x2], $0x80, v4, vm0, $0xb8;
	[tilespmem:$0x14900] =	vst v63  }
0x52: {  	s20 =	simm.s32 $0x7000  }
0x53: {  	[hbm4b:s3+s4] =	stream.indirect_vreg.scatter [tilespmem:s20], [sflag:$0x2], $0x80, v3, vm0, $0xb8;
	[tilespmem:$0x14900] =	vst v63  }
0x54: {  	s21 =	simm.s32 $0x7800  }
0x55: {  	[hbm4b:s5+s4] =	stream.indirect_vreg.scatter [tilespmem:s21], [sflag:$0x2], $0x80, v3, vm0, $0xb8;
	[tilespmem:$0x14900] =	vst v63  }
0x56: {  	v3 =	vld [tilespmem:$0x8080];
	_ =	sdelay $0x4  }
0x57: {  	v8 =	vshll.u32 v3, $0x2  }
0x58: {  	v3 =	vand.u32 $0x7, v3;
	v4 =	vand.u32 $0xFFFFFFE0, v8  }
0x59: {  	v3 =	vor.u32 v3, v4  }
0x5a: {  	v4 =	vperm.xlane v3, v0;
	_ =	sdelay $0x1  }
0x5b: {  	v4 =	vadd.s32 v1, v4;
	_ =	sdelay $0x1  }
0x5c: {  	v3 =	vperm.xlane v3, v2;
	_ =	sdelay $0x1  }
0x5d: {  	v3 =	vadd.s32 v1, v3  }
0x5e: {  	[hbm4b:s3+s4] =	stream.indirect_vreg.scatter [tilespmem:s4], [sflag:$0x2], $0x80, v4, vm0, $0xb8;
	[tilespmem:$0x14900] =	vst v63  }
0x5f: {  	_ = 	snop  }
0x60: {  	[hbm4b:s5+s4] =	stream.indirect_vreg.scatter [tilespmem:s24], [sflag:$0x2], $0x80, v4, vm0, $0xb8;
	[tilespmem:$0x14900] =	vst v63  }
0x61: {  	_ = 	snop  }
0x62: {  	[hbm4b:s3+s4] =	stream.indirect_vreg.scatter [tilespmem:s8], [sflag:$0x2], $0x80, v3, vm0, $0xb8;
	[tilespmem:$0x14900] =	vst v63  }
0x63: {  	_ = 	snop  }
0x64: {  	[hbm4b:s5+s4] =	stream.indirect_vreg.scatter [tilespmem:s9], [sflag:$0x2], $0x80, v3, vm0, $0xb8;
	[tilespmem:$0x14900] =	vst v63  }
0x65: {  	v3 =	vld [tilespmem:$0x8090];
	_ =	sdelay $0x4  }
0x66: {  	v9 =	vshll.u32 v3, $0x2  }
0x67: {  	v3 =	vand.u32 $0x7, v3;
	v4 =	vand.u32 $0xFFFFFFE0, v9  }
0x68: {  	v3 =	vor.u32 v3, v4  }
0x69: {  	v4 =	vperm.xlane v3, v0;
	_ =	sdelay $0x1  }
0x6a: {  	v4 =	vadd.s32 v1, v4;
	_ =	sdelay $0x1  }
0x6b: {  	v3 =	vperm.xlane v3, v2;
	_ =	sdelay $0x1  }
0x6c: {  	v3 =	vadd.s32 v1, v3  }
0x6d: {  	[hbm4b:s3+s4] =	stream.indirect_vreg.scatter [tilespmem:s10], [sflag:$0x2], $0x80, v4, vm0, $0xb8;
	[tilespmem:$0x14900] =	vst v63  }
0x6e: {  	_ = 	snop  }
0x6f: {  	[hbm4b:s5+s4] =	stream.indirect_vreg.scatter [tilespmem:s11], [sflag:$0x2], $0x80, v4, vm0, $0xb8;
	[tilespmem:$0x14900] =	vst v63  }
0x70: {  	_ = 	snop  }
0x71: {  	[hbm4b:s3+s4] =	stream.indirect_vreg.scatter [tilespmem:s12], [sflag:$0x2], $0x80, v3, vm0, $0xb8;
	[tilespmem:$0x14900] =	vst v63  }
0x72: {  	_ = 	snop  }
0x73: {  	[hbm4b:s5+s4] =	stream.indirect_vreg.scatter [tilespmem:s13], [sflag:$0x2], $0x80, v3, vm0, $0xb8;
	[tilespmem:$0x14900] =	vst v63  }
0x74: {  	v3 =	vld [tilespmem:$0x80A0];
	_ =	sdelay $0x4  }
0x75: {  	v10 =	vshll.u32 v3, $0x2  }
0x76: {  	v3 =	vand.u32 $0x7, v3;
	v4 =	vand.u32 $0xFFFFFFE0, v10  }
0x77: {  	v3 =	vor.u32 v3, v4  }
0x78: {  	v4 =	vperm.xlane v3, v0;
	_ =	sdelay $0x1  }
0x79: {  	v4 =	vadd.s32 v1, v4;
	_ =	sdelay $0x1  }
0x7a: {  	v3 =	vperm.xlane v3, v2;
	_ =	sdelay $0x1  }
0x7b: {  	v3 =	vadd.s32 v1, v3  }
0x7c: {  	[hbm4b:s3+s4] =	stream.indirect_vreg.scatter [tilespmem:s14], [sflag:$0x2], $0x80, v4, vm0, $0xb8;
	[tilespmem:$0x14900] =	vst v63  }
0x7d: {  	_ = 	snop  }
0x7e: {  	[hbm4b:s5+s4] =	stream.indirect_vreg.scatter [tilespmem:s15], [sflag:$0x2], $0x80, v4, vm0, $0xb8;
	[tilespmem:$0x14900] =	vst v63  }
0x7f: {  	_ = 	snop  }
0x80: {  	[hbm4b:s3+s4] =	stream.indirect_vreg.scatter [tilespmem:s16], [sflag:$0x2], $0x80, v3, vm0, $0xb8;
	[tilespmem:$0x14900] =	vst v63  }
0x81: {  	_ = 	snop  }
0x82: {  	[hbm4b:s5+s4] =	stream.indirect_vreg.scatter [tilespmem:s17], [sflag:$0x2], $0x80, v3, vm0, $0xb8;
	[tilespmem:$0x14900] =	vst v63  }
0x83: {  	v3 =	vld [tilespmem:$0x80B0];
	_ =	sdelay $0x4  }
0x84: {  	v11 =	vshll.u32 v3, $0x2  }
0x85: {  	v3 =	vand.u32 $0x7, v3;
	v4 =	vand.u32 $0xFFFFFFE0, v11  }
0x86: {  	v3 =	vor.u32 v3, v4  }
0x87: {  	v4 =	vperm.xlane v3, v0;
	_ =	sdelay $0x1  }
0x88: {  	v4 =	vadd.s32 v1, v4;
	_ =	sdelay $0x1  }
0x89: {  	v3 =	vperm.xlane v3, v2;
	_ =	sdelay $0x1  }
0x8a: {  	v3 =	vadd.s32 v1, v3  }
0x8b: {  	[hbm4b:s3+s4] =	stream.indirect_vreg.scatter [tilespmem:s18], [sflag:$0x2], $0x80, v4, vm0, $0xb8;
	[tilespmem:$0x14900] =	vst v63  }
0x8c: {  	_ = 	snop  }
0x8d: {  	[hbm4b:s5+s4] =	stream.indirect_vreg.scatter [tilespmem:s19], [sflag:$0x2], $0x80, v4, vm0, $0xb8;
	[tilespmem:$0x14900] =	vst v63  }
0x8e: {  	_ = 	snop  }
0x8f: {  	[hbm4b:s3+s4] =	stream.indirect_vreg.scatter [tilespmem:s20], [sflag:$0x2], $0x80, v3, vm0, $0xb8;
	[tilespmem:$0x14900] =	vst v63  }
0x90: {  	_ = 	snop  }
0x91: {  	[hbm4b:s5+s4] =	stream.indirect_vreg.scatter [tilespmem:s21], [sflag:$0x2], $0x80, v3, vm0, $0xb8;
	[tilespmem:$0x14900] =	vst v63  }
0x92: {  	v3 =	vld [tilespmem:$0x8100];
	_ =	sdelay $0x4  }
0x93: {  	v12 =	vshll.u32 v3, $0x2  }
0x94: {  	v3 =	vand.u32 $0x7, v3;
	v4 =	vand.u32 $0xFFFFFFE0, v12  }
0x95: {  	v3 =	vor.u32 v3, v4  }
0x96: {  	v4 =	vperm.xlane v3, v0;
	_ =	sdelay $0x1  }
0x97: {  	v4 =	vadd.s32 v1, v4;
	_ =	sdelay $0x1  }
0x98: {  	v3 =	vperm.xlane v3, v2;
	_ =	sdelay $0x1  }
0x99: {  	v3 =	vadd.s32 v1, v3  }
0x9a: {  	[hbm4b:s3+s4] =	stream.indirect_vreg.scatter [tilespmem:s4], [sflag:$0x2], $0x80, v4, vm0, $0xb8;
	[tilespmem:$0x14900] =	vst v63  }
0x9b: {  	_ = 	snop  }
0x9c: {  	[hbm4b:s5+s4] =	stream.indirect_vreg.scatter [tilespmem:s24], [sflag:$0x2], $0x80, v4, vm0, $0xb8;
	[tilespmem:$0x14900] =	vst v63  }
0x9d: {  	_ = 	snop  }
0x9e: {  	[hbm4b:s3+s4] =	stream.indirect_vreg.scatter [tilespmem:s8], [sflag:$0x2], $0x80, v3, vm0, $0xb8;
	[tilespmem:$0x14900] =	vst v63  }
0x9f: {  	_ = 	snop  }
0xa0: {  	[hbm4b:s5+s4] =	stream.indirect_vreg.scatter [tilespmem:s9], [sflag:$0x2], $0x80, v3, vm0, $0xb8;
	[tilespmem:$0x14900] =	vst v63  }
0xa1: {  	v3 =	vld [tilespmem:$0x8110];
	_ =	sdelay $0x4  }
0xa2: {  	v13 =	vshll.u32 v3, $0x2  }
0xa3: {  	v3 =	vand.u32 $0x7, v3;
	v4 =	vand.u32 $0xFFFFFFE0, v13  }
0xa4: {  	v3 =	vor.u32 v3, v4  }
0xa5: {  	v4 =	vperm.xlane v3, v0;
	_ =	sdelay $0x1  }
0xa6: {  	v4 =	vadd.s32 v1, v4;
	_ =	sdelay $0x1  }
0xa7: {  	v3 =	vperm.xlane v3, v2;
	_ =	sdelay $0x1  }
0xa8: {  	v3 =	vadd.s32 v1, v3  }
0xa9: {  	[hbm4b:s3+s4] =	stream.indirect_vreg.scatter [tilespmem:s10], [sflag:$0x2], $0x80, v4, vm0, $0xb8;
	[tilespmem:$0x14900] =	vst v63  }
0xaa: {  	_ = 	snop  }
0xab: {  	[hbm4b:s5+s4] =	stream.indirect_vreg.scatter [tilespmem:s11], [sflag:$0x2], $0x80, v4, vm0, $0xb8;
	[tilespmem:$0x14900] =	vst v63  }
0xac: {  	_ = 	snop  }
0xad: {  	[hbm4b:s3+s4] =	stream.indirect_vreg.scatter [tilespmem:s12], [sflag:$0x2], $0x80, v3, vm0, $0xb8;
	[tilespmem:$0x14900] =	vst v63  }
0xae: {  	_ = 	snop  }
0xaf: {  	[hbm4b:s5+s4] =	stream.indirect_vreg.scatter [tilespmem:s13], [sflag:$0x2], $0x80, v3, vm0, $0xb8;
	[tilespmem:$0x14900] =	vst v63  }
0xb0: {  	v3 =	vld [tilespmem:$0x8120];
	_ =	sdelay $0x4  }
0xb1: {  	v14 =	vshll.u32 v3, $0x2  }
0xb2: {  	v3 =	vand.u32 $0x7, v3;
	v4 =	vand.u32 $0xFFFFFFE0, v14  }
0xb3: {  	v3 =	vor.u32 v3, v4  }
0xb4: {  	v4 =	vperm.xlane v3, v0;
	_ =	sdelay $0x1  }
0xb5: {  	v4 =	vadd.s32 v1, v4;
	_ =	sdelay $0x1  }
0xb6: {  	v3 =	vperm.xlane v3, v2;
	_ =	sdelay $0x1  }
0xb7: {  	v3 =	vadd.s32 v1, v3  }
0xb8: {  	[hbm4b:s3+s4] =	stream.indirect_vreg.scatter [tilespmem:s14], [sflag:$0x2], $0x80, v4, vm0, $0xb8;
	[tilespmem:$0x14900] =	vst v63  }
0xb9: {  	_ = 	snop  }
0xba: {  	[hbm4b:s5+s4] =	stream.indirect_vreg.scatter [tilespmem:s15], [sflag:$0x2], $0x80, v4, vm0, $0xb8;
	[tilespmem:$0x14900] =	vst v63  }
0xbb: {  	_ = 	snop  }
0xbc: {  	[hbm4b:s3+s4] =	stream.indirect_vreg.scatter [tilespmem:s16], [sflag:$0x2], $0x80, v3, vm0, $0xb8;
	[tilespmem:$0x14900] =	vst v63  }
0xbd: {  	_ = 	snop  }
0xbe: {  	[hbm4b:s5+s4] =	stream.indirect_vreg.scatter [tilespmem:s17], [sflag:$0x2], $0x80, v3, vm0, $0xb8;
	[tilespmem:$0x14900] =	vst v63  }
0xbf: {  	v3 =	vld [tilespmem:$0x8130];
	_ =	sdelay $0x4  }
0xc0: {  	v15 =	vshll.u32 v3, $0x2  }
0xc1: {  	v3 =	vand.u32 $0x7, v3;
	v4 =	vand.u32 $0xFFFFFFE0, v15  }
0xc2: {  	v3 =	vor.u32 v3, v4  }
0xc3: {  	v4 =	vperm.xlane v3, v0;
	_ =	sdelay $0x1  }
0xc4: {  	v4 =	vadd.s32 v1, v4;
	_ =	sdelay $0x1  }
0xc5: {  	v3 =	vperm.xlane v3, v2;
	_ =	sdelay $0x1  }
0xc6: {  	v3 =	vadd.s32 v1, v3  }
0xc7: {  	[hbm4b:s3+s4] =	stream.indirect_vreg.scatter [tilespmem:s18], [sflag:$0x2], $0x80, v4, vm0, $0xb8;
	[tilespmem:$0x14900] =	vst v63  }
0xc8: {  	_ = 	snop  }
0xc9: {  	[hbm4b:s5+s4] =	stream.indirect_vreg.scatter [tilespmem:s19], [sflag:$0x2], $0x80, v4, vm0, $0xb8;
	[tilespmem:$0x14900] =	vst v63  }
0xca: {  	_ = 	snop  }
0xcb: {  	[hbm4b:s3+s4] =	stream.indirect_vreg.scatter [tilespmem:s20], [sflag:$0x2], $0x80, v3, vm0, $0xb8;
	[tilespmem:$0x14900] =	vst v63  }
0xcc: {  	_ = 	snop  }
0xcd: {  	[hbm4b:s5+s4] =	stream.indirect_vreg.scatter [tilespmem:s21], [sflag:$0x2], $0x80, v3, vm0, $0xb8;
	[tilespmem:$0x14900] =	vst v63  }
0xce: {  	v3 =	vld [tilespmem:$0x8180];
	_ =	sdelay $0x4  }
0xcf: {  	v16 =	vshll.u32 v3, $0x2  }
0xd0: {  	v3 =	vand.u32 $0x7, v3;
	v4 =	vand.u32 $0xFFFFFFE0, v16  }
0xd1: {  	v3 =	vor.u32 v3, v4  }
0xd2: {  	v4 =	vperm.xlane v3, v0;
	_ =	sdelay $0x1  }
0xd3: {  	v4 =	vadd.s32 v1, v4;
	_ =	sdelay $0x1  }
0xd4: {  	v3 =	vperm.xlane v3, v2;
	_ =	sdelay $0x1  }
0xd5: {  	v3 =	vadd.s32 v1, v3  }
0xd6: {  	[hbm4b:s3+s4] =	stream.indirect_vreg.scatter [tilespmem:s4], [sflag:$0x2], $0x80, v4, vm0, $0xb8;
	[tilespmem:$0x14900] =	vst v63  }
0xd7: {  	_ = 	snop  }
0xd8: {  	[hbm4b:s5+s4] =	stream.indirect_vreg.scatter [tilespmem:s24], [sflag:$0x2], $0x80, v4, vm0, $0xb8;
	[tilespmem:$0x14900] =	vst v63  }
0xd9: {  	_ = 	snop  }
0xda: {  	[hbm4b:s3+s4] =	stream.indirect_vreg.scatter [tilespmem:s8], [sflag:$0x2], $0x80, v3, vm0, $0xb8;
	[tilespmem:$0x14900] =	vst v63  }
0xdb: {  	_ = 	snop  }
0xdc: {  	[hbm4b:s5+s4] =	stream.indirect_vreg.scatter [tilespmem:s9], [sflag:$0x2], $0x80, v3, vm0, $0xb8;
	[tilespmem:$0x14900] =	vst v63  }
0xdd: {  	v3 =	vld [tilespmem:$0x8190];
	_ =	sdelay $0x4  }
0xde: {  	v17 =	vshll.u32 v3, $0x2  }
0xdf: {  	v3 =	vand.u32 $0x7, v3;
	v4 =	vand.u32 $0xFFFFFFE0, v17  }
0xe0: {  	v3 =	vor.u32 v3, v4  }
0xe1: {  	v4 =	vperm.xlane v3, v0;
	_ =	sdelay $0x1  }
0xe2: {  	v4 =	vadd.s32 v1, v4;
	_ =	sdelay $0x1  }
0xe3: {  	v3 =	vperm.xlane v3, v2;
	_ =	sdelay $0x1  }
0xe4: {  	v3 =	vadd.s32 v1, v3  }
0xe5: {  	[hbm4b:s3+s4] =	stream.indirect_vreg.scatter [tilespmem:s10], [sflag:$0x2], $0x80, v4, vm0, $0xb8;
	[tilespmem:$0x14900] =	vst v63  }
0xe6: {  	_ = 	snop  }
0xe7: {  	[hbm4b:s5+s4] =	stream.indirect_vreg.scatter [tilespmem:s11], [sflag:$0x2], $0x80, v4, vm0, $0xb8;
	[tilespmem:$0x14900] =	vst v63  }
0xe8: {  	_ = 	snop  }
0xe9: {  	[hbm4b:s3+s4] =	stream.indirect_vreg.scatter [tilespmem:s12], [sflag:$0x2], $0x80, v3, vm0, $0xb8;
	[tilespmem:$0x14900] =	vst v63  }
0xea: {  	_ = 	snop  }
0xeb: {  	[hbm4b:s5+s4] =	stream.indirect_vreg.scatter [tilespmem:s13], [sflag:$0x2], $0x80, v3, vm0, $0xb8;
	[tilespmem:$0x14900] =	vst v63  }
0xec: {  	v3 =	vld [tilespmem:$0x81A0];
	_ =	sdelay $0x4  }
0xed: {  	v18 =	vshll.u32 v3, $0x2  }
0xee: {  	v3 =	vand.u32 $0x7, v3;
	v4 =	vand.u32 $0xFFFFFFE0, v18  }
0xef: {  	v3 =	vor.u32 v3, v4  }
0xf0: {  	v4 =	vperm.xlane v3, v0;
	_ =	sdelay $0x1  }
0xf1: {  	v4 =	vadd.s32 v1, v4;
	_ =	sdelay $0x1  }
0xf2: {  	v3 =	vperm.xlane v3, v2;
	_ =	sdelay $0x1  }
0xf3: {  	v3 =	vadd.s32 v1, v3  }
0xf4: {  	[hbm4b:s3+s4] =	stream.indirect_vreg.scatter [tilespmem:s14], [sflag:$0x2], $0x80, v4, vm0, $0xb8;
	[tilespmem:$0x14900] =	vst v63  }
0xf5: {  	_ = 	snop  }
0xf6: {  	[hbm4b:s5+s4] =	stream.indirect_vreg.scatter [tilespmem:s15], [sflag:$0x2], $0x80, v4, vm0, $0xb8;
	[tilespmem:$0x14900] =	vst v63  }
0xf7: {  	_ = 	snop  }
0xf8: {  	[hbm4b:s3+s4] =	stream.indirect_vreg.scatter [tilespmem:s16], [sflag:$0x2], $0x80, v3, vm0, $0xb8;
	[tilespmem:$0x14900] =	vst v63  }
0xf9: {  	_ = 	snop  }
0xfa: {  	[hbm4b:s5+s4] =	stream.indirect_vreg.scatter [tilespmem:s17], [sflag:$0x2], $0x80, v3, vm0, $0xb8;
	[tilespmem:$0x14900] =	vst v63  }
0xfb: {  	v3 =	vld [tilespmem:$0x81B0];
	_ =	sdelay $0x4  }
0xfc: {  	v19 =	vshll.u32 v3, $0x2  }
0xfd: {  	v3 =	vand.u32 $0x7, v3;
	v4 =	vand.u32 $0xFFFFFFE0, v19  }
0xfe: {  	v3 =	vor.u32 v3, v4  }
0xff: {  	v4 =	vperm.xlane v3, v0;
	_ =	sdelay $0x1  }
0x100: {  	v4 =	vadd.s32 v1, v4;
	_ =	sdelay $0x1  }
0x101: {  	v3 =	vperm.xlane v3, v2;
	_ =	sdelay $0x1  }
0x102: {  	v3 =	vadd.s32 v1, v3  }
0x103: {  	[hbm4b:s3+s4] =	stream.indirect_vreg.scatter [tilespmem:s18], [sflag:$0x2], $0x80, v4, vm0, $0xb8;
	[tilespmem:$0x14900] =	vst v63  }
0x104: {  	_ = 	snop  }
0x105: {  	[hbm4b:s5+s4] =	stream.indirect_vreg.scatter [tilespmem:s19], [sflag:$0x2], $0x80, v4, vm0, $0xb8;
	[tilespmem:$0x14900] =	vst v63  }
0x106: {  	_ = 	snop  }
0x107: {  	[hbm4b:s3+s4] =	stream.indirect_vreg.scatter [tilespmem:s20], [sflag:$0x2], $0x80, v3, vm0, $0xb8;
	[tilespmem:$0x14900] =	vst v63  }
0x108: {  	_ = 	snop  }
0x109: {  	[hbm4b:s5+s4] =	stream.indirect_vreg.scatter [tilespmem:s21], [sflag:$0x2], $0x80, v3, vm0, $0xb8;
	[tilespmem:$0x14900] =	vst v63  }
0x10a: {  	v3 =	vld [tilespmem:$0x8200];
	_ =	sdelay $0x4  }
0x10b: {  	v20 =	vshll.u32 v3, $0x2  }
0x10c: {  	v3 =	vand.u32 $0x7, v3;
	v4 =	vand.u32 $0xFFFFFFE0, v20  }
0x10d: {  	v3 =	vor.u32 v3, v4  }
0x10e: {  	v4 =	vperm.xlane v3, v0;
	_ =	sdelay $0x1  }
0x10f: {  	v4 =	vadd.s32 v1, v4;
	_ =	sdelay $0x1  }
0x110: {  	v3 =	vperm.xlane v3, v2;
	_ =	sdelay $0x1  }
0x111: {  	v3 =	vadd.s32 v1, v3  }
0x112: {  	[hbm4b:s3+s4] =	stream.indirect_vreg.scatter [tilespmem:s4], [sflag:$0x2], $0x80, v4, vm0, $0xb8;
	[tilespmem:$0x14900] =	vst v63  }
0x113: {  	_ = 	snop  }
0x114: {  	[hbm4b:s5+s4] =	stream.indirect_vreg.scatter [tilespmem:s24], [sflag:$0x2], $0x80, v4, vm0, $0xb8;
	[tilespmem:$0x14900] =	vst v63  }
0x115: {  	_ = 	snop  }
0x116: {  	[hbm4b:s3+s4] =	stream.indirect_vreg.scatter [tilespmem:s8], [sflag:$0x2], $0x80, v3, vm0, $0xb8;
	[tilespmem:$0x14900] =	vst v63  }
0x117: {  	_ = 	snop  }
0x118: {  	[hbm4b:s5+s4] =	stream.indirect_vreg.scatter [tilespmem:s9], [sflag:$0x2], $0x80, v3, vm0, $0xb8;
	[tilespmem:$0x14900] =	vst v63  }
0x119: {  	v3 =	vld [tilespmem:$0x8210];
	_ =	sdelay $0x4  }
0x11a: {  	v21 =	vshll.u32 v3, $0x2  }
0x11b: {  	v3 =	vand.u32 $0x7, v3;
	v4 =	vand.u32 $0xFFFFFFE0, v21  }
0x11c: {  	v3 =	vor.u32 v3, v4  }
0x11d: {  	v4 =	vperm.xlane v3, v0;
	_ =	sdelay $0x1  }
0x11e: {  	v4 =	vadd.s32 v1, v4;
	_ =	sdelay $0x1  }
0x11f: {  	v3 =	vperm.xlane v3, v2;
	_ =	sdelay $0x1  }
0x120: {  	v3 =	vadd.s32 v1, v3  }
0x121: {  	[hbm4b:s3+s4] =	stream.indirect_vreg.scatter [tilespmem:s10], [sflag:$0x2], $0x80, v4, vm0, $0xb8;
	[tilespmem:$0x14900] =	vst v63  }
0x122: {  	_ = 	snop  }
0x123: {  	[hbm4b:s5+s4] =	stream.indirect_vreg.scatter [tilespmem:s11], [sflag:$0x2], $0x80, v4, vm0, $0xb8;
	[tilespmem:$0x14900] =	vst v63  }
0x124: {  	_ = 	snop  }
0x125: {  	[hbm4b:s3+s4] =	stream.indirect_vreg.scatter [tilespmem:s12], [sflag:$0x2], $0x80, v3, vm0, $0xb8;
	[tilespmem:$0x14900] =	vst v63  }
0x126: {  	_ = 	snop  }
0x127: {  	[hbm4b:s5+s4] =	stream.indirect_vreg.scatter [tilespmem:s13], [sflag:$0x2], $0x80, v3, vm0, $0xb8;
	[tilespmem:$0x14900] =	vst v63  }
0x128: {  	v3 =	vld [tilespmem:$0x8220];
	_ =	sdelay $0x4  }
0x129: {  	v22 =	vshll.u32 v3, $0x2  }
0x12a: {  	v3 =	vand.u32 $0x7, v3;
	v4 =	vand.u32 $0xFFFFFFE0, v22  }
0x12b: {  	v3 =	vor.u32 v3, v4  }
0x12c: {  	v4 =	vperm.xlane v3, v0;
	_ =	sdelay $0x1  }
0x12d: {  	v4 =	vadd.s32 v1, v4;
	_ =	sdelay $0x1  }
0x12e: {  	v3 =	vperm.xlane v3, v2;
	_ =	sdelay $0x1  }
0x12f: {  	v3 =	vadd.s32 v1, v3  }
0x130: {  	[hbm4b:s3+s4] =	stream.indirect_vreg.scatter [tilespmem:s14], [sflag:$0x2], $0x80, v4, vm0, $0xb8;
	[tilespmem:$0x14900] =	vst v63  }
0x131: {  	_ = 	snop  }
0x132: {  	[hbm4b:s5+s4] =	stream.indirect_vreg.scatter [tilespmem:s15], [sflag:$0x2], $0x80, v4, vm0, $0xb8;
	[tilespmem:$0x14900] =	vst v63  }
0x133: {  	_ = 	snop  }
0x134: {  	[hbm4b:s3+s4] =	stream.indirect_vreg.scatter [tilespmem:s16], [sflag:$0x2], $0x80, v3, vm0, $0xb8;
	[tilespmem:$0x14900] =	vst v63  }
0x135: {  	_ = 	snop  }
0x136: {  	[hbm4b:s5+s4] =	stream.indirect_vreg.scatter [tilespmem:s17], [sflag:$0x2], $0x80, v3, vm0, $0xb8;
	[tilespmem:$0x14900] =	vst v63  }
0x137: {  	v3 =	vld [tilespmem:$0x8230];
	_ =	sdelay $0x4  }
0x138: {  	v23 =	vshll.u32 v3, $0x2  }
0x139: {  	v3 =	vand.u32 $0x7, v3;
	v4 =	vand.u32 $0xFFFFFFE0, v23  }
0x13a: {  	v3 =	vor.u32 v3, v4  }
0x13b: {  	v4 =	vperm.xlane v3, v0;
	_ =	sdelay $0x1  }
0x13c: {  	v4 =	vadd.s32 v1, v4;
	_ =	sdelay $0x1  }
0x13d: {  	v3 =	vperm.xlane v3, v2;
	_ =	sdelay $0x1  }
0x13e: {  	v3 =	vadd.s32 v1, v3  }
0x13f: {  	[hbm4b:s3+s4] =	stream.indirect_vreg.scatter [tilespmem:s18], [sflag:$0x2], $0x80, v4, vm0, $0xb8;
	[tilespmem:$0x14900] =	vst v63  }
0x140: {  	_ = 	snop  }
0x141: {  	[hbm4b:s5+s4] =	stream.indirect_vreg.scatter [tilespmem:s19], [sflag:$0x2], $0x80, v4, vm0, $0xb8;
	[tilespmem:$0x14900] =	vst v63  }
0x142: {  	_ = 	snop  }
0x143: {  	[hbm4b:s3+s4] =	stream.indirect_vreg.scatter [tilespmem:s20], [sflag:$0x2], $0x80, v3, vm0, $0xb8;
	[tilespmem:$0x14900] =	vst v63  }
0x144: {  	_ = 	snop  }
0x145: {  	[hbm4b:s5+s4] =	stream.indirect_vreg.scatter [tilespmem:s21], [sflag:$0x2], $0x80, v3, vm0, $0xb8;
	[tilespmem:$0x14900] =	vst v63  }
0x146: {  	v3 =	vld [tilespmem:$0x8280];
	_ =	sdelay $0x4  }
0x147: {  	v24 =	vshll.u32 v3, $0x2  }
0x148: {  	v3 =	vand.u32 $0x7, v3;
	v4 =	vand.u32 $0xFFFFFFE0, v24  }
0x149: {  	v3 =	vor.u32 v3, v4  }
0x14a: {  	v4 =	vperm.xlane v3, v0;
	_ =	sdelay $0x1  }
0x14b: {  	v4 =	vadd.s32 v1, v4;
	_ =	sdelay $0x1  }
0x14c: {  	v3 =	vperm.xlane v3, v2;
	_ =	sdelay $0x1  }
0x14d: {  	v3 =	vadd.s32 v1, v3  }
0x14e: {  	[hbm4b:s3+s4] =	stream.indirect_vreg.scatter [tilespmem:s4], [sflag:$0x2], $0x80, v4, vm0, $0xb8;
	[tilespmem:$0x14900] =	vst v63  }
0x14f: {  	_ = 	snop  }
0x150: {  	[hbm4b:s5+s4] =	stream.indirect_vreg.scatter [tilespmem:s24], [sflag:$0x2], $0x80, v4, vm0, $0xb8;
	[tilespmem:$0x14900] =	vst v63  }
0x151: {  	_ = 	snop  }
0x152: {  	[hbm4b:s3+s4] =	stream.indirect_vreg.scatter [tilespmem:s8], [sflag:$0x2], $0x80, v3, vm0, $0xb8;
	[tilespmem:$0x14900] =	vst v63  }
0x153: {  	_ = 	snop  }
0x154: {  	[hbm4b:s5+s4] =	stream.indirect_vreg.scatter [tilespmem:s9], [sflag:$0x2], $0x80, v3, vm0, $0xb8;
	[tilespmem:$0x14900] =	vst v63  }
0x155: {  	v3 =	vld [tilespmem:$0x8290];
	_ =	sdelay $0x4  }
0x156: {  	v25 =	vshll.u32 v3, $0x2  }
0x157: {  	v3 =	vand.u32 $0x7, v3;
	v4 =	vand.u32 $0xFFFFFFE0, v25  }
0x158: {  	v3 =	vor.u32 v3, v4  }
0x159: {  	v4 =	vperm.xlane v3, v0;
	_ =	sdelay $0x1  }
0x15a: {  	v4 =	vadd.s32 v1, v4;
	_ =	sdelay $0x1  }
0x15b: {  	v3 =	vperm.xlane v3, v2;
	_ =	sdelay $0x1  }
0x15c: {  	v3 =	vadd.s32 v1, v3  }
0x15d: {  	[hbm4b:s3+s4] =	stream.indirect_vreg.scatter [tilespmem:s10], [sflag:$0x2], $0x80, v4, vm0, $0xb8;
	[tilespmem:$0x14900] =	vst v63  }
0x15e: {  	_ = 	snop  }
0x15f: {  	[hbm4b:s5+s4] =	stream.indirect_vreg.scatter [tilespmem:s11], [sflag:$0x2], $0x80, v4, vm0, $0xb8;
	[tilespmem:$0x14900] =	vst v63  }
0x160: {  	_ = 	snop  }
0x161: {  	[hbm4b:s3+s4] =	stream.indirect_vreg.scatter [tilespmem:s12], [sflag:$0x2], $0x80, v3, vm0, $0xb8;
	[tilespmem:$0x14900] =	vst v63  }
0x162: {  	_ = 	snop  }
0x163: {  	[hbm4b:s5+s4] =	stream.indirect_vreg.scatter [tilespmem:s13], [sflag:$0x2], $0x80, v3, vm0, $0xb8;
	[tilespmem:$0x14900] =	vst v63  }
0x164: {  	v3 =	vld [tilespmem:$0x82A0];
	_ =	sdelay $0x4  }
0x165: {  	v26 =	vshll.u32 v3, $0x2  }
0x166: {  	v3 =	vand.u32 $0x7, v3;
	v4 =	vand.u32 $0xFFFFFFE0, v26  }
0x167: {  	v3 =	vor.u32 v3, v4  }
0x168: {  	v4 =	vperm.xlane v3, v0;
	_ =	sdelay $0x1  }
0x169: {  	v4 =	vadd.s32 v1, v4;
	_ =	sdelay $0x1  }
0x16a: {  	v3 =	vperm.xlane v3, v2;
	_ =	sdelay $0x1  }
0x16b: {  	v3 =	vadd.s32 v1, v3  }
0x16c: {  	[hbm4b:s3+s4] =	stream.indirect_vreg.scatter [tilespmem:s14], [sflag:$0x2], $0x80, v4, vm0, $0xb8;
	[tilespmem:$0x14900] =	vst v63  }
0x16d: {  	_ = 	snop  }
0x16e: {  	[hbm4b:s5+s4] =	stream.indirect_vreg.scatter [tilespmem:s15], [sflag:$0x2], $0x80, v4, vm0, $0xb8;
	[tilespmem:$0x14900] =	vst v63  }
0x16f: {  	_ = 	snop  }
0x170: {  	[hbm4b:s3+s4] =	stream.indirect_vreg.scatter [tilespmem:s16], [sflag:$0x2], $0x80, v3, vm0, $0xb8;
	[tilespmem:$0x14900] =	vst v63  }
0x171: {  	_ = 	snop  }
0x172: {  	[hbm4b:s5+s4] =	stream.indirect_vreg.scatter [tilespmem:s17], [sflag:$0x2], $0x80, v3, vm0, $0xb8;
	[tilespmem:$0x14900] =	vst v63  }
0x173: {  	v3 =	vld [tilespmem:$0x82B0];
	_ =	sdelay $0x4  }
0x174: {  	v27 =	vshll.u32 v3, $0x2  }
0x175: {  	v3 =	vand.u32 $0x7, v3;
	v4 =	vand.u32 $0xFFFFFFE0, v27  }
0x176: {  	v3 =	vor.u32 v3, v4  }
0x177: {  	v4 =	vperm.xlane v3, v0;
	_ =	sdelay $0x1  }
0x178: {  	v4 =	vadd.s32 v1, v4;
	_ =	sdelay $0x1  }
0x179: {  	v3 =	vperm.xlane v3, v2;
	_ =	sdelay $0x1  }
0x17a: {  	v3 =	vadd.s32 v1, v3  }
0x17b: {  	[hbm4b:s3+s4] =	stream.indirect_vreg.scatter [tilespmem:s18], [sflag:$0x2], $0x80, v4, vm0, $0xb8;
	[tilespmem:$0x14900] =	vst v63  }
0x17c: {  	_ = 	snop  }
0x17d: {  	[hbm4b:s5+s4] =	stream.indirect_vreg.scatter [tilespmem:s19], [sflag:$0x2], $0x80, v4, vm0, $0xb8;
	[tilespmem:$0x14900] =	vst v63  }
0x17e: {  	_ = 	snop  }
0x17f: {  	[hbm4b:s3+s4] =	stream.indirect_vreg.scatter [tilespmem:s20], [sflag:$0x2], $0x80, v3, vm0, $0xb8;
	[tilespmem:$0x14900] =	vst v63  }
0x180: {  	_ = 	snop  }
0x181: {  	[hbm4b:s5+s4] =	stream.indirect_vreg.scatter [tilespmem:s21], [sflag:$0x2], $0x80, v3, vm0, $0xb8;
	[tilespmem:$0x14900] =	vst v63  }
0x182: {  	v3 =	vld [tilespmem:$0x8300];
	_ =	sdelay $0x4  }
0x183: {  	v28 =	vshll.u32 v3, $0x2  }
0x184: {  	v3 =	vand.u32 $0x7, v3;
	v4 =	vand.u32 $0xFFFFFFE0, v28  }
0x185: {  	v3 =	vor.u32 v3, v4  }
0x186: {  	v4 =	vperm.xlane v3, v0;
	_ =	sdelay $0x1  }
0x187: {  	v4 =	vadd.s32 v1, v4;
	_ =	sdelay $0x1  }
0x188: {  	v3 =	vperm.xlane v3, v2;
	_ =	sdelay $0x1  }
0x189: {  	v3 =	vadd.s32 v1, v3  }
0x18a: {  	[hbm4b:s3+s4] =	stream.indirect_vreg.scatter [tilespmem:s4], [sflag:$0x2], $0x80, v4, vm0, $0xb8;
	[tilespmem:$0x14900] =	vst v63  }
0x18b: {  	_ = 	snop  }
0x18c: {  	[hbm4b:s5+s4] =	stream.indirect_vreg.scatter [tilespmem:s24], [sflag:$0x2], $0x80, v4, vm0, $0xb8;
	[tilespmem:$0x14900] =	vst v63  }
0x18d: {  	_ = 	snop  }
0x18e: {  	[hbm4b:s3+s4] =	stream.indirect_vreg.scatter [tilespmem:s8], [sflag:$0x2], $0x80, v3, vm0, $0xb8;
	[tilespmem:$0x14900] =	vst v63  }
0x18f: {  	_ = 	snop  }
0x190: {  	[hbm4b:s5+s4] =	stream.indirect_vreg.scatter [tilespmem:s9], [sflag:$0x2], $0x80, v3, vm0, $0xb8;
	[tilespmem:$0x14900] =	vst v63  }
0x191: {  	v3 =	vld [tilespmem:$0x8310];
	_ =	sdelay $0x4  }
0x192: {  	v29 =	vshll.u32 v3, $0x2  }
0x193: {  	v3 =	vand.u32 $0x7, v3;
	v4 =	vand.u32 $0xFFFFFFE0, v29  }
0x194: {  	v3 =	vor.u32 v3, v4  }
0x195: {  	v4 =	vperm.xlane v3, v0;
	_ =	sdelay $0x1  }
0x196: {  	v4 =	vadd.s32 v1, v4;
	_ =	sdelay $0x1  }
0x197: {  	v3 =	vperm.xlane v3, v2;
	_ =	sdelay $0x1  }
0x198: {  	v3 =	vadd.s32 v1, v3  }
0x199: {  	[hbm4b:s3+s4] =	stream.indirect_vreg.scatter [tilespmem:s10], [sflag:$0x2], $0x80, v4, vm0, $0xb8;
	[tilespmem:$0x14900] =	vst v63  }
0x19a: {  	_ = 	snop  }
0x19b: {  	[hbm4b:s5+s4] =	stream.indirect_vreg.scatter [tilespmem:s11], [sflag:$0x2], $0x80, v4, vm0, $0xb8;
	[tilespmem:$0x14900] =	vst v63  }
0x19c: {  	_ = 	snop  }
0x19d: {  	[hbm4b:s3+s4] =	stream.indirect_vreg.scatter [tilespmem:s12], [sflag:$0x2], $0x80, v3, vm0, $0xb8;
	[tilespmem:$0x14900] =	vst v63  }
0x19e: {  	_ = 	snop  }
0x19f: {  	[hbm4b:s5+s4] =	stream.indirect_vreg.scatter [tilespmem:s13], [sflag:$0x2], $0x80, v3, vm0, $0xb8;
	[tilespmem:$0x14900] =	vst v63  }
0x1a0: {  	v3 =	vld [tilespmem:$0x8320];
	_ =	sdelay $0x4  }
0x1a1: {  	v30 =	vshll.u32 v3, $0x2  }
0x1a2: {  	v3 =	vand.u32 $0x7, v3;
	v4 =	vand.u32 $0xFFFFFFE0, v30  }
0x1a3: {  	v3 =	vor.u32 v3, v4  }
0x1a4: {  	v4 =	vperm.xlane v3, v0;
	_ =	sdelay $0x1  }
0x1a5: {  	v4 =	vadd.s32 v1, v4;
	_ =	sdelay $0x1  }
0x1a6: {  	v3 =	vperm.xlane v3, v2;
	_ =	sdelay $0x1  }
0x1a7: {  	v3 =	vadd.s32 v1, v3  }
0x1a8: {  	[hbm4b:s3+s4] =	stream.indirect_vreg.scatter [tilespmem:s14], [sflag:$0x2], $0x80, v4, vm0, $0xb8;
	[tilespmem:$0x14900] =	vst v63  }
0x1a9: {  	_ = 	snop  }
0x1aa: {  	[hbm4b:s5+s4] =	stream.indirect_vreg.scatter [tilespmem:s15], [sflag:$0x2], $0x80, v4, vm0, $0xb8;
	[tilespmem:$0x14900] =	vst v63  }
0x1ab: {  	_ = 	snop  }
0x1ac: {  	[hbm4b:s3+s4] =	stream.indirect_vreg.scatter [tilespmem:s16], [sflag:$0x2], $0x80, v3, vm0, $0xb8;
	[tilespmem:$0x14900] =	vst v63  }
0x1ad: {  	_ = 	snop  }
0x1ae: {  	[hbm4b:s5+s4] =	stream.indirect_vreg.scatter [tilespmem:s17], [sflag:$0x2], $0x80, v3, vm0, $0xb8;
	[tilespmem:$0x14900] =	vst v63  }
0x1af: {  	v3 =	vld [tilespmem:$0x8330];
	_ =	sdelay $0x4  }
0x1b0: {  	v31 =	vshll.u32 v3, $0x2  }
0x1b1: {  	v3 =	vand.u32 $0x7, v3;
	v4 =	vand.u32 $0xFFFFFFE0, v31  }
0x1b2: {  	v3 =	vor.u32 v3, v4  }
0x1b3: {  	v4 =	vperm.xlane v3, v0;
	_ =	sdelay $0x1  }
0x1b4: {  	v4 =	vadd.s32 v1, v4;
	_ =	sdelay $0x1  }
0x1b5: {  	v3 =	vperm.xlane v3, v2;
	_ =	sdelay $0x1  }
0x1b6: {  	v3 =	vadd.s32 v1, v3  }
0x1b7: {  	[hbm4b:s3+s4] =	stream.indirect_vreg.scatter [tilespmem:s18], [sflag:$0x2], $0x80, v4, vm0, $0xb8;
	[tilespmem:$0x14900] =	vst v63  }
0x1b8: {  	_ = 	snop  }
0x1b9: {  	[hbm4b:s5+s4] =	stream.indirect_vreg.scatter [tilespmem:s19], [sflag:$0x2], $0x80, v4, vm0, $0xb8;
	[tilespmem:$0x14900] =	vst v63  }
0x1ba: {  	_ = 	snop  }
0x1bb: {  	[hbm4b:s3+s4] =	stream.indirect_vreg.scatter [tilespmem:s20], [sflag:$0x2], $0x80, v3, vm0, $0xb8;
	[tilespmem:$0x14900] =	vst v63  }
0x1bc: {  	_ = 	snop  }
0x1bd: {  	[hbm4b:s5+s4] =	stream.indirect_vreg.scatter [tilespmem:s21], [sflag:$0x2], $0x80, v3, vm0, $0xb8;
	[tilespmem:$0x14900] =	vst v63  }
0x1be: {  	v3 =	vld [tilespmem:$0x8380];
	_ =	sdelay $0x4  }
0x1bf: {  	v32 =	vshll.u32 v3, $0x2  }
0x1c0: {  	v3 =	vand.u32 $0x7, v3;
	v4 =	vand.u32 $0xFFFFFFE0, v32  }
0x1c1: {  	v3 =	vor.u32 v3, v4  }
0x1c2: {  	v4 =	vperm.xlane v3, v0;
	_ =	sdelay $0x1  }
0x1c3: {  	v4 =	vadd.s32 v1, v4;
	_ =	sdelay $0x1  }
0x1c4: {  	v3 =	vperm.xlane v3, v2;
	_ =	sdelay $0x1  }
0x1c5: {  	v3 =	vadd.s32 v1, v3  }
0x1c6: {  	[hbm4b:s3+s4] =	stream.indirect_vreg.scatter [tilespmem:s4], [sflag:$0x2], $0x80, v4, vm0, $0xb8;
	[tilespmem:$0x14900] =	vst v63  }
0x1c7: {  	_ = 	snop  }
0x1c8: {  	[hbm4b:s5+s4] =	stream.indirect_vreg.scatter [tilespmem:s24], [sflag:$0x2], $0x80, v4, vm0, $0xb8;
	[tilespmem:$0x14900] =	vst v63  }
0x1c9: {  	_ = 	snop  }
0x1ca: {  	[hbm4b:s3+s4] =	stream.indirect_vreg.scatter [tilespmem:s8], [sflag:$0x2], $0x80, v3, vm0, $0xb8;
	[tilespmem:$0x14900] =	vst v63  }
0x1cb: {  	_ = 	snop  }
0x1cc: {  	[hbm4b:s5+s4] =	stream.indirect_vreg.scatter [tilespmem:s9], [sflag:$0x2], $0x80, v3, vm0, $0xb8;
	[tilespmem:$0x14900] =	vst v63  }
0x1cd: {  	v3 =	vld [tilespmem:$0x8390];
	_ =	sdelay $0x4  }
0x1ce: {  	v33 =	vshll.u32 v3, $0x2  }
0x1cf: {  	v3 =	vand.u32 $0x7, v3;
	v4 =	vand.u32 $0xFFFFFFE0, v33  }
0x1d0: {  	v3 =	vor.u32 v3, v4  }
0x1d1: {  	v4 =	vperm.xlane v3, v0;
	_ =	sdelay $0x1  }
0x1d2: {  	v4 =	vadd.s32 v1, v4;
	_ =	sdelay $0x1  }
0x1d3: {  	v3 =	vperm.xlane v3, v2;
	_ =	sdelay $0x1  }
0x1d4: {  	v3 =	vadd.s32 v1, v3  }
0x1d5: {  	[hbm4b:s3+s4] =	stream.indirect_vreg.scatter [tilespmem:s10], [sflag:$0x2], $0x80, v4, vm0, $0xb8;
	[tilespmem:$0x14900] =	vst v63  }
0x1d6: {  	_ = 	snop  }
0x1d7: {  	[hbm4b:s5+s4] =	stream.indirect_vreg.scatter [tilespmem:s11], [sflag:$0x2], $0x80, v4, vm0, $0xb8;
	[tilespmem:$0x14900] =	vst v63  }
0x1d8: {  	_ = 	snop  }
0x1d9: {  	[hbm4b:s3+s4] =	stream.indirect_vreg.scatter [tilespmem:s12], [sflag:$0x2], $0x80, v3, vm0, $0xb8;
	[tilespmem:$0x14900] =	vst v63  }
0x1da: {  	_ = 	snop  }
0x1db: {  	[hbm4b:s5+s4] =	stream.indirect_vreg.scatter [tilespmem:s13], [sflag:$0x2], $0x80, v3, vm0, $0xb8;
	[tilespmem:$0x14900] =	vst v63  }
0x1dc: {  	v3 =	vld [tilespmem:$0x83A0];
	_ =	sdelay $0x4  }
0x1dd: {  	v34 =	vshll.u32 v3, $0x2  }
0x1de: {  	v3 =	vand.u32 $0x7, v3;
	v4 =	vand.u32 $0xFFFFFFE0, v34  }
0x1df: {  	v3 =	vor.u32 v3, v4  }
0x1e0: {  	v4 =	vperm.xlane v3, v0;
	_ =	sdelay $0x1  }
0x1e1: {  	v4 =	vadd.s32 v1, v4;
	_ =	sdelay $0x1  }
0x1e2: {  	v3 =	vperm.xlane v3, v2;
	_ =	sdelay $0x1  }
0x1e3: {  	v3 =	vadd.s32 v1, v3  }
0x1e4: {  	[hbm4b:s3+s4] =	stream.indirect_vreg.scatter [tilespmem:s14], [sflag:$0x2], $0x80, v4, vm0, $0xb8;
	[tilespmem:$0x14900] =	vst v63  }
0x1e5: {  	_ = 	snop  }
0x1e6: {  	[hbm4b:s5+s4] =	stream.indirect_vreg.scatter [tilespmem:s15], [sflag:$0x2], $0x80, v4, vm0, $0xb8;
	[tilespmem:$0x14900] =	vst v63  }
0x1e7: {  	_ = 	snop  }
0x1e8: {  	[hbm4b:s3+s4] =	stream.indirect_vreg.scatter [tilespmem:s16], [sflag:$0x2], $0x80, v3, vm0, $0xb8;
	[tilespmem:$0x14900] =	vst v63  }
0x1e9: {  	_ = 	snop  }
0x1ea: {  	[hbm4b:s5+s4] =	stream.indirect_vreg.scatter [tilespmem:s17], [sflag:$0x2], $0x80, v3, vm0, $0xb8;
	[tilespmem:$0x14900] =	vst v63  }
0x1eb: {  	v3 =	vld [tilespmem:$0x83B0];
	_ =	sdelay $0x4  }
0x1ec: {  	v35 =	vshll.u32 v3, $0x2  }
0x1ed: {  	v3 =	vand.u32 $0x7, v3;
	v4 =	vand.u32 $0xFFFFFFE0, v35  }
0x1ee: {  	v3 =	vor.u32 v3, v4  }
0x1ef: {  	v4 =	vperm.xlane v3, v0;
	_ =	sdelay $0x1  }
0x1f0: {  	v4 =	vadd.s32 v1, v4;
	_ =	sdelay $0x1  }
0x1f1: {  	v3 =	vperm.xlane v3, v2;
	_ =	sdelay $0x1  }
0x1f2: {  	v3 =	vadd.s32 v1, v3  }
0x1f3: {  	[hbm4b:s3+s4] =	stream.indirect_vreg.scatter [tilespmem:s18], [sflag:$0x2], $0x80, v4, vm0, $0xb8;
	[tilespmem:$0x14900] =	vst v63  }
0x1f4: {  	_ = 	snop  }
0x1f5: {  	[hbm4b:s5+s4] =	stream.indirect_vreg.scatter [tilespmem:s19], [sflag:$0x2], $0x80, v4, vm0, $0xb8;
	[tilespmem:$0x14900] =	vst v63  }
0x1f6: {  	_ = 	snop  }
0x1f7: {  	[hbm4b:s3+s4] =	stream.indirect_vreg.scatter [tilespmem:s20], [sflag:$0x2], $0x80, v3, vm0, $0xb8;
	[tilespmem:$0x14900] =	vst v63  }
0x1f8: {  	_ = 	snop  }
0x1f9: {  	[hbm4b:s5+s4] =	stream.indirect_vreg.scatter [tilespmem:s21], [sflag:$0x2], $0x80, v3, vm0, $0xb8;
	[tilespmem:$0x14900] =	vst v63  }
0x1fa: {  	v3 =	vld [tilespmem:$0x8400];
	_ =	sdelay $0x4  }
0x1fb: {  	v36 =	vshll.u32 v3, $0x2  }
0x1fc: {  	v3 =	vand.u32 $0x7, v3;
	v4 =	vand.u32 $0xFFFFFFE0, v36  }
0x1fd: {  	v3 =	vor.u32 v3, v4  }
0x1fe: {  	v4 =	vperm.xlane v3, v0;
	_ =	sdelay $0x1  }
0x1ff: {  	v4 =	vadd.s32 v1, v4;
	_ =	sdelay $0x1  }
0x200: {  	v3 =	vperm.xlane v3, v2;
	_ =	sdelay $0x1  }
0x201: {  	v3 =	vadd.s32 v1, v3  }
0x202: {  	[hbm4b:s3+s4] =	stream.indirect_vreg.scatter [tilespmem:s4], [sflag:$0x2], $0x80, v4, vm0, $0xb8;
	[tilespmem:$0x14900] =	vst v63  }
0x203: {  	_ = 	snop  }
0x204: {  	[hbm4b:s5+s4] =	stream.indirect_vreg.scatter [tilespmem:s24], [sflag:$0x2], $0x80, v4, vm0, $0xb8;
	[tilespmem:$0x14900] =	vst v63  }
0x205: {  	_ = 	snop  }
0x206: {  	[hbm4b:s3+s4] =	stream.indirect_vreg.scatter [tilespmem:s8], [sflag:$0x2], $0x80, v3, vm0, $0xb8;
	[tilespmem:$0x14900] =	vst v63  }
0x207: {  	_ = 	snop  }
0x208: {  	[hbm4b:s5+s4] =	stream.indirect_vreg.scatter [tilespmem:s9], [sflag:$0x2], $0x80, v3, vm0, $0xb8;
	[tilespmem:$0x14900] =	vst v63  }
0x209: {  	v3 =	vld [tilespmem:$0x8410];
	_ =	sdelay $0x4  }
0x20a: {  	v37 =	vshll.u32 v3, $0x2  }
0x20b: {  	v3 =	vand.u32 $0x7, v3;
	v4 =	vand.u32 $0xFFFFFFE0, v37  }
0x20c: {  	v3 =	vor.u32 v3, v4  }
0x20d: {  	v4 =	vperm.xlane v3, v0;
	_ =	sdelay $0x1  }
0x20e: {  	v4 =	vadd.s32 v1, v4;
	_ =	sdelay $0x1  }
0x20f: {  	v3 =	vperm.xlane v3, v2;
	_ =	sdelay $0x1  }
0x210: {  	v3 =	vadd.s32 v1, v3  }
0x211: {  	[hbm4b:s3+s4] =	stream.indirect_vreg.scatter [tilespmem:s10], [sflag:$0x2], $0x80, v4, vm0, $0xb8;
	[tilespmem:$0x14900] =	vst v63  }
0x212: {  	_ = 	snop  }
0x213: {  	[hbm4b:s5+s4] =	stream.indirect_vreg.scatter [tilespmem:s11], [sflag:$0x2], $0x80, v4, vm0, $0xb8;
	[tilespmem:$0x14900] =	vst v63  }
0x214: {  	_ = 	snop  }
0x215: {  	[hbm4b:s3+s4] =	stream.indirect_vreg.scatter [tilespmem:s12], [sflag:$0x2], $0x80, v3, vm0, $0xb8;
	[tilespmem:$0x14900] =	vst v63  }
0x216: {  	_ = 	snop  }
0x217: {  	[hbm4b:s5+s4] =	stream.indirect_vreg.scatter [tilespmem:s13], [sflag:$0x2], $0x80, v3, vm0, $0xb8;
	[tilespmem:$0x14900] =	vst v63  }
0x218: {  	v3 =	vld [tilespmem:$0x8420];
	_ =	sdelay $0x4  }
0x219: {  	v38 =	vshll.u32 v3, $0x2  }
0x21a: {  	v3 =	vand.u32 $0x7, v3;
	v4 =	vand.u32 $0xFFFFFFE0, v38  }
0x21b: {  	v3 =	vor.u32 v3, v4  }
0x21c: {  	v4 =	vperm.xlane v3, v0;
	_ =	sdelay $0x1  }
0x21d: {  	v4 =	vadd.s32 v1, v4;
	_ =	sdelay $0x1  }
0x21e: {  	v3 =	vperm.xlane v3, v2;
	_ =	sdelay $0x1  }
0x21f: {  	v3 =	vadd.s32 v1, v3  }
0x220: {  	[hbm4b:s3+s4] =	stream.indirect_vreg.scatter [tilespmem:s14], [sflag:$0x2], $0x80, v4, vm0, $0xb8;
	[tilespmem:$0x14900] =	vst v63  }
0x221: {  	_ = 	snop  }
0x222: {  	[hbm4b:s5+s4] =	stream.indirect_vreg.scatter [tilespmem:s15], [sflag:$0x2], $0x80, v4, vm0, $0xb8;
	[tilespmem:$0x14900] =	vst v63  }
0x223: {  	_ = 	snop  }
0x224: {  	[hbm4b:s3+s4] =	stream.indirect_vreg.scatter [tilespmem:s16], [sflag:$0x2], $0x80, v3, vm0, $0xb8;
	[tilespmem:$0x14900] =	vst v63  }
0x225: {  	_ = 	snop  }
0x226: {  	[hbm4b:s5+s4] =	stream.indirect_vreg.scatter [tilespmem:s17], [sflag:$0x2], $0x80, v3, vm0, $0xb8;
	[tilespmem:$0x14900] =	vst v63  }
0x227: {  	v3 =	vld [tilespmem:$0x8430];
	_ =	sdelay $0x4  }
0x228: {  	v39 =	vshll.u32 v3, $0x2  }
0x229: {  	v3 =	vand.u32 $0x7, v3;
	v4 =	vand.u32 $0xFFFFFFE0, v39  }
0x22a: {  	v3 =	vor.u32 v3, v4  }
0x22b: {  	v4 =	vperm.xlane v3, v0;
	_ =	sdelay $0x1  }
0x22c: {  	v4 =	vadd.s32 v1, v4;
	_ =	sdelay $0x1  }
0x22d: {  	v3 =	vperm.xlane v3, v2;
	_ =	sdelay $0x1  }
0x22e: {  	v3 =	vadd.s32 v1, v3  }
0x22f: {  	[hbm4b:s3+s4] =	stream.indirect_vreg.scatter [tilespmem:s18], [sflag:$0x2], $0x80, v4, vm0, $0xb8;
	[tilespmem:$0x14900] =	vst v63  }
0x230: {  	_ = 	snop  }
0x231: {  	[hbm4b:s5+s4] =	stream.indirect_vreg.scatter [tilespmem:s19], [sflag:$0x2], $0x80, v4, vm0, $0xb8;
	[tilespmem:$0x14900] =	vst v63  }
0x232: {  	_ = 	snop  }
0x233: {  	[hbm4b:s3+s4] =	stream.indirect_vreg.scatter [tilespmem:s20], [sflag:$0x2], $0x80, v3, vm0, $0xb8;
	[tilespmem:$0x14900] =	vst v63  }
0x234: {  	_ = 	snop  }
0x235: {  	[hbm4b:s5+s4] =	stream.indirect_vreg.scatter [tilespmem:s21], [sflag:$0x2], $0x80, v3, vm0, $0xb8;
	[tilespmem:$0x14900] =	vst v63  }
0x236: {  	v3 =	vld [tilespmem:$0x8480];
	_ =	sdelay $0x4  }
0x237: {  	v40 =	vshll.u32 v3, $0x2  }
0x238: {  	v3 =	vand.u32 $0x7, v3;
	v4 =	vand.u32 $0xFFFFFFE0, v40  }
0x239: {  	v3 =	vor.u32 v3, v4  }
0x23a: {  	v4 =	vperm.xlane v3, v0;
	_ =	sdelay $0x1  }
0x23b: {  	v4 =	vadd.s32 v1, v4;
	_ =	sdelay $0x1  }
0x23c: {  	v3 =	vperm.xlane v3, v2;
	_ =	sdelay $0x1  }
0x23d: {  	v3 =	vadd.s32 v1, v3  }
0x23e: {  	[hbm4b:s3+s4] =	stream.indirect_vreg.scatter [tilespmem:s4], [sflag:$0x2], $0x80, v4, vm0, $0xb8;
	[tilespmem:$0x14900] =	vst v63  }
0x23f: {  	_ = 	snop  }
0x240: {  	[hbm4b:s5+s4] =	stream.indirect_vreg.scatter [tilespmem:s24], [sflag:$0x2], $0x80, v4, vm0, $0xb8;
	[tilespmem:$0x14900] =	vst v63  }
0x241: {  	_ = 	snop  }
0x242: {  	[hbm4b:s3+s4] =	stream.indirect_vreg.scatter [tilespmem:s8], [sflag:$0x2], $0x80, v3, vm0, $0xb8;
	[tilespmem:$0x14900] =	vst v63  }
0x243: {  	_ = 	snop  }
0x244: {  	[hbm4b:s5+s4] =	stream.indirect_vreg.scatter [tilespmem:s9], [sflag:$0x2], $0x80, v3, vm0, $0xb8;
	[tilespmem:$0x14900] =	vst v63  }
0x245: {  	v3 =	vld [tilespmem:$0x8490];
	_ =	sdelay $0x4  }
0x246: {  	v41 =	vshll.u32 v3, $0x2  }
0x247: {  	v3 =	vand.u32 $0x7, v3;
	v4 =	vand.u32 $0xFFFFFFE0, v41  }
0x248: {  	v3 =	vor.u32 v3, v4  }
0x249: {  	v4 =	vperm.xlane v3, v0;
	_ =	sdelay $0x1  }
0x24a: {  	v4 =	vadd.s32 v1, v4;
	_ =	sdelay $0x1  }
0x24b: {  	v3 =	vperm.xlane v3, v2;
	_ =	sdelay $0x1  }
0x24c: {  	v3 =	vadd.s32 v1, v3  }
0x24d: {  	[hbm4b:s3+s4] =	stream.indirect_vreg.scatter [tilespmem:s10], [sflag:$0x2], $0x80, v4, vm0, $0xb8;
	[tilespmem:$0x14900] =	vst v63  }
0x24e: {  	_ = 	snop  }
0x24f: {  	[hbm4b:s5+s4] =	stream.indirect_vreg.scatter [tilespmem:s11], [sflag:$0x2], $0x80, v4, vm0, $0xb8;
	[tilespmem:$0x14900] =	vst v63  }
0x250: {  	_ = 	snop  }
0x251: {  	[hbm4b:s3+s4] =	stream.indirect_vreg.scatter [tilespmem:s12], [sflag:$0x2], $0x80, v3, vm0, $0xb8;
	[tilespmem:$0x14900] =	vst v63  }
0x252: {  	_ = 	snop  }
0x253: {  	[hbm4b:s5+s4] =	stream.indirect_vreg.scatter [tilespmem:s13], [sflag:$0x2], $0x80, v3, vm0, $0xb8;
	[tilespmem:$0x14900] =	vst v63  }
0x254: {  	v3 =	vld [tilespmem:$0x84A0];
	_ =	sdelay $0x4  }
0x255: {  	v42 =	vshll.u32 v3, $0x2  }
0x256: {  	v3 =	vand.u32 $0x7, v3;
	v4 =	vand.u32 $0xFFFFFFE0, v42  }
0x257: {  	v3 =	vor.u32 v3, v4  }
0x258: {  	v4 =	vperm.xlane v3, v0;
	_ =	sdelay $0x1  }
0x259: {  	v4 =	vadd.s32 v1, v4;
	_ =	sdelay $0x1  }
0x25a: {  	v3 =	vperm.xlane v3, v2;
	_ =	sdelay $0x1  }
0x25b: {  	v3 =	vadd.s32 v1, v3  }
0x25c: {  	[hbm4b:s3+s4] =	stream.indirect_vreg.scatter [tilespmem:s14], [sflag:$0x2], $0x80, v4, vm0, $0xb8;
	[tilespmem:$0x14900] =	vst v63  }
0x25d: {  	_ = 	snop  }
0x25e: {  	[hbm4b:s5+s4] =	stream.indirect_vreg.scatter [tilespmem:s15], [sflag:$0x2], $0x80, v4, vm0, $0xb8;
	[tilespmem:$0x14900] =	vst v63  }
0x25f: {  	_ = 	snop  }
0x260: {  	[hbm4b:s3+s4] =	stream.indirect_vreg.scatter [tilespmem:s16], [sflag:$0x2], $0x80, v3, vm0, $0xb8;
	[tilespmem:$0x14900] =	vst v63  }
0x261: {  	_ = 	snop  }
0x262: {  	[hbm4b:s5+s4] =	stream.indirect_vreg.scatter [tilespmem:s17], [sflag:$0x2], $0x80, v3, vm0, $0xb8;
	[tilespmem:$0x14900] =	vst v63  }
0x263: {  	v3 =	vld [tilespmem:$0x84B0];
	_ =	sdelay $0x4  }
0x264: {  	v43 =	vshll.u32 v3, $0x2  }
0x265: {  	v3 =	vand.u32 $0x7, v3;
	v4 =	vand.u32 $0xFFFFFFE0, v43  }
0x266: {  	v3 =	vor.u32 v3, v4  }
0x267: {  	v4 =	vperm.xlane v3, v0;
	_ =	sdelay $0x1  }
0x268: {  	v4 =	vadd.s32 v1, v4;
	_ =	sdelay $0x1  }
0x269: {  	v3 =	vperm.xlane v3, v2;
	_ =	sdelay $0x1  }
0x26a: {  	v3 =	vadd.s32 v1, v3  }
0x26b: {  	[hbm4b:s3+s4] =	stream.indirect_vreg.scatter [tilespmem:s18], [sflag:$0x2], $0x80, v4, vm0, $0xb8;
	[tilespmem:$0x14900] =	vst v63  }
0x26c: {  	_ = 	snop  }
0x26d: {  	[hbm4b:s5+s4] =	stream.indirect_vreg.scatter [tilespmem:s19], [sflag:$0x2], $0x80, v4, vm0, $0xb8;
	[tilespmem:$0x14900] =	vst v63  }
0x26e: {  	_ = 	snop  }
0x26f: {  	[hbm4b:s3+s4] =	stream.indirect_vreg.scatter [tilespmem:s20], [sflag:$0x2], $0x80, v3, vm0, $0xb8;
	[tilespmem:$0x14900] =	vst v63  }
0x270: {  	_ = 	snop  }
0x271: {  	[hbm4b:s5+s4] =	stream.indirect_vreg.scatter [tilespmem:s21], [sflag:$0x2], $0x80, v3, vm0, $0xb8;
	[tilespmem:$0x14900] =	vst v63  }
0x272: {  	v3 =	vld [tilespmem:$0x8500];
	_ =	sdelay $0x4  }
0x273: {  	v44 =	vshll.u32 v3, $0x2  }
0x274: {  	v3 =	vand.u32 $0x7, v3;
	v4 =	vand.u32 $0xFFFFFFE0, v44  }
0x275: {  	v3 =	vor.u32 v3, v4  }
0x276: {  	v4 =	vperm.xlane v3, v0;
	_ =	sdelay $0x1  }
0x277: {  	v4 =	vadd.s32 v1, v4;
	_ =	sdelay $0x1  }
0x278: {  	v3 =	vperm.xlane v3, v2;
	_ =	sdelay $0x1  }
0x279: {  	v3 =	vadd.s32 v1, v3  }
0x27a: {  	[hbm4b:s3+s4] =	stream.indirect_vreg.scatter [tilespmem:s4], [sflag:$0x2], $0x80, v4, vm0, $0xb8;
	[tilespmem:$0x14900] =	vst v63  }
0x27b: {  	_ = 	snop  }
0x27c: {  	[hbm4b:s5+s4] =	stream.indirect_vreg.scatter [tilespmem:s24], [sflag:$0x2], $0x80, v4, vm0, $0xb8;
	[tilespmem:$0x14900] =	vst v63  }
0x27d: {  	_ = 	snop  }
0x27e: {  	[hbm4b:s3+s4] =	stream.indirect_vreg.scatter [tilespmem:s8], [sflag:$0x2], $0x80, v3, vm0, $0xb8;
	[tilespmem:$0x14900] =	vst v63  }
0x27f: {  	_ = 	snop  }
0x280: {  	[hbm4b:s5+s4] =	stream.indirect_vreg.scatter [tilespmem:s9], [sflag:$0x2], $0x80, v3, vm0, $0xb8;
	[tilespmem:$0x14900] =	vst v63  }
0x281: {  	v3 =	vld [tilespmem:$0x8510];
	_ =	sdelay $0x4  }
0x282: {  	v45 =	vshll.u32 v3, $0x2  }
0x283: {  	v3 =	vand.u32 $0x7, v3;
	v4 =	vand.u32 $0xFFFFFFE0, v45  }
0x284: {  	v3 =	vor.u32 v3, v4  }
0x285: {  	v4 =	vperm.xlane v3, v0;
	_ =	sdelay $0x1  }
0x286: {  	v4 =	vadd.s32 v1, v4;
	_ =	sdelay $0x1  }
0x287: {  	v3 =	vperm.xlane v3, v2;
	_ =	sdelay $0x1  }
0x288: {  	v3 =	vadd.s32 v1, v3  }
0x289: {  	[hbm4b:s3+s4] =	stream.indirect_vreg.scatter [tilespmem:s10], [sflag:$0x2], $0x80, v4, vm0, $0xb8;
	[tilespmem:$0x14900] =	vst v63  }
0x28a: {  	_ = 	snop  }
0x28b: {  	[hbm4b:s5+s4] =	stream.indirect_vreg.scatter [tilespmem:s11], [sflag:$0x2], $0x80, v4, vm0, $0xb8;
	[tilespmem:$0x14900] =	vst v63  }
0x28c: {  	_ = 	snop  }
0x28d: {  	[hbm4b:s3+s4] =	stream.indirect_vreg.scatter [tilespmem:s12], [sflag:$0x2], $0x80, v3, vm0, $0xb8;
	[tilespmem:$0x14900] =	vst v63  }
0x28e: {  	_ = 	snop  }
0x28f: {  	[hbm4b:s5+s4] =	stream.indirect_vreg.scatter [tilespmem:s13], [sflag:$0x2], $0x80, v3, vm0, $0xb8;
	[tilespmem:$0x14900] =	vst v63  }
0x290: {  	v3 =	vld [tilespmem:$0x8520];
	_ =	sdelay $0x4  }
0x291: {  	v46 =	vshll.u32 v3, $0x2  }
0x292: {  	v3 =	vand.u32 $0x7, v3;
	v4 =	vand.u32 $0xFFFFFFE0, v46  }
0x293: {  	v3 =	vor.u32 v3, v4  }
0x294: {  	v4 =	vperm.xlane v3, v0;
	_ =	sdelay $0x1  }
0x295: {  	v4 =	vadd.s32 v1, v4;
	_ =	sdelay $0x1  }
0x296: {  	v3 =	vperm.xlane v3, v2;
	_ =	sdelay $0x1  }
0x297: {  	v3 =	vadd.s32 v1, v3  }
0x298: {  	[hbm4b:s3+s4] =	stream.indirect_vreg.scatter [tilespmem:s14], [sflag:$0x2], $0x80, v4, vm0, $0xb8;
	[tilespmem:$0x14900] =	vst v63  }
0x299: {  	_ = 	snop  }
0x29a: {  	[hbm4b:s5+s4] =	stream.indirect_vreg.scatter [tilespmem:s15], [sflag:$0x2], $0x80, v4, vm0, $0xb8;
	[tilespmem:$0x14900] =	vst v63  }
0x29b: {  	_ = 	snop  }
0x29c: {  	[hbm4b:s3+s4] =	stream.indirect_vreg.scatter [tilespmem:s16], [sflag:$0x2], $0x80, v3, vm0, $0xb8;
	[tilespmem:$0x14900] =	vst v63  }
0x29d: {  	_ = 	snop  }
0x29e: {  	[hbm4b:s5+s4] =	stream.indirect_vreg.scatter [tilespmem:s17], [sflag:$0x2], $0x80, v3, vm0, $0xb8;
	[tilespmem:$0x14900] =	vst v63  }
0x29f: {  	v3 =	vld [tilespmem:$0x8530];
	_ =	sdelay $0x4  }
0x2a0: {  	v47 =	vshll.u32 v3, $0x2  }
0x2a1: {  	v3 =	vand.u32 $0x7, v3;
	v4 =	vand.u32 $0xFFFFFFE0, v47  }
0x2a2: {  	v3 =	vor.u32 v3, v4  }
0x2a3: {  	v4 =	vperm.xlane v3, v0;
	_ =	sdelay $0x1  }
0x2a4: {  	v4 =	vadd.s32 v1, v4;
	_ =	sdelay $0x1  }
0x2a5: {  	v3 =	vperm.xlane v3, v2;
	_ =	sdelay $0x1  }
0x2a6: {  	v3 =	vadd.s32 v1, v3  }
0x2a7: {  	[hbm4b:s3+s4] =	stream.indirect_vreg.scatter [tilespmem:s18], [sflag:$0x2], $0x80, v4, vm0, $0xb8;
	[tilespmem:$0x14900] =	vst v63  }
0x2a8: {  	_ = 	snop  }
0x2a9: {  	[hbm4b:s5+s4] =	stream.indirect_vreg.scatter [tilespmem:s19], [sflag:$0x2], $0x80, v4, vm0, $0xb8;
	[tilespmem:$0x14900] =	vst v63  }
0x2aa: {  	_ = 	snop  }
0x2ab: {  	[hbm4b:s3+s4] =	stream.indirect_vreg.scatter [tilespmem:s20], [sflag:$0x2], $0x80, v3, vm0, $0xb8;
	[tilespmem:$0x14900] =	vst v63  }
0x2ac: {  	_ = 	snop  }
0x2ad: {  	[hbm4b:s5+s4] =	stream.indirect_vreg.scatter [tilespmem:s21], [sflag:$0x2], $0x80, v3, vm0, $0xb8;
	[tilespmem:$0x14900] =	vst v63  }
0x2ae: {  	v3 =	vld [tilespmem:$0x8580];
	_ =	sdelay $0x4  }
0x2af: {  	v48 =	vshll.u32 v3, $0x2  }
0x2b0: {  	v3 =	vand.u32 $0x7, v3;
	v4 =	vand.u32 $0xFFFFFFE0, v48  }
0x2b1: {  	v3 =	vor.u32 v3, v4  }
0x2b2: {  	v4 =	vperm.xlane v3, v0;
	_ =	sdelay $0x1  }
0x2b3: {  	v4 =	vadd.s32 v1, v4;
	_ =	sdelay $0x1  }
0x2b4: {  	v3 =	vperm.xlane v3, v2;
	_ =	sdelay $0x1  }
0x2b5: {  	v3 =	vadd.s32 v1, v3  }
0x2b6: {  	[hbm4b:s3+s4] =	stream.indirect_vreg.scatter [tilespmem:s4], [sflag:$0x2], $0x80, v4, vm0, $0xb8;
	[tilespmem:$0x14900] =	vst v63  }
0x2b7: {  	_ = 	snop  }
0x2b8: {  	[hbm4b:s5+s4] =	stream.indirect_vreg.scatter [tilespmem:s24], [sflag:$0x2], $0x80, v4, vm0, $0xb8;
	[tilespmem:$0x14900] =	vst v63  }
0x2b9: {  	_ = 	snop  }
0x2ba: {  	[hbm4b:s3+s4] =	stream.indirect_vreg.scatter [tilespmem:s8], [sflag:$0x2], $0x80, v3, vm0, $0xb8;
	[tilespmem:$0x14900] =	vst v63  }
0x2bb: {  	_ = 	snop  }
0x2bc: {  	[hbm4b:s5+s4] =	stream.indirect_vreg.scatter [tilespmem:s9], [sflag:$0x2], $0x80, v3, vm0, $0xb8;
	[tilespmem:$0x14900] =	vst v63  }
0x2bd: {  	v3 =	vld [tilespmem:$0x8590];
	_ =	sdelay $0x4  }
0x2be: {  	v49 =	vshll.u32 v3, $0x2  }
0x2bf: {  	v3 =	vand.u32 $0x7, v3;
	v4 =	vand.u32 $0xFFFFFFE0, v49  }
0x2c0: {  	v3 =	vor.u32 v3, v4  }
0x2c1: {  	v4 =	vperm.xlane v3, v0;
	_ =	sdelay $0x1  }
0x2c2: {  	v4 =	vadd.s32 v1, v4;
	_ =	sdelay $0x1  }
0x2c3: {  	v3 =	vperm.xlane v3, v2;
	_ =	sdelay $0x1  }
0x2c4: {  	v3 =	vadd.s32 v1, v3  }
0x2c5: {  	[hbm4b:s3+s4] =	stream.indirect_vreg.scatter [tilespmem:s10], [sflag:$0x2], $0x80, v4, vm0, $0xb8;
	[tilespmem:$0x14900] =	vst v63  }
0x2c6: {  	_ = 	snop  }
0x2c7: {  	[hbm4b:s5+s4] =	stream.indirect_vreg.scatter [tilespmem:s11], [sflag:$0x2], $0x80, v4, vm0, $0xb8;
	[tilespmem:$0x14900] =	vst v63  }
0x2c8: {  	_ = 	snop  }
0x2c9: {  	[hbm4b:s3+s4] =	stream.indirect_vreg.scatter [tilespmem:s12], [sflag:$0x2], $0x80, v3, vm0, $0xb8;
	[tilespmem:$0x14900] =	vst v63  }
0x2ca: {  	_ = 	snop  }
0x2cb: {  	[hbm4b:s5+s4] =	stream.indirect_vreg.scatter [tilespmem:s13], [sflag:$0x2], $0x80, v3, vm0, $0xb8;
	[tilespmem:$0x14900] =	vst v63  }
0x2cc: {  	v3 =	vld [tilespmem:$0x85A0];
	_ =	sdelay $0x4  }
0x2cd: {  	v50 =	vshll.u32 v3, $0x2  }
0x2ce: {  	v3 =	vand.u32 $0x7, v3;
	v4 =	vand.u32 $0xFFFFFFE0, v50  }
0x2cf: {  	v3 =	vor.u32 v3, v4  }
0x2d0: {  	v4 =	vperm.xlane v3, v0;
	_ =	sdelay $0x1  }
0x2d1: {  	v4 =	vadd.s32 v1, v4;
	_ =	sdelay $0x1  }
0x2d2: {  	v3 =	vperm.xlane v3, v2;
	_ =	sdelay $0x1  }
0x2d3: {  	v3 =	vadd.s32 v1, v3  }
0x2d4: {  	[hbm4b:s3+s4] =	stream.indirect_vreg.scatter [tilespmem:s14], [sflag:$0x2], $0x80, v4, vm0, $0xb8;
	[tilespmem:$0x14900] =	vst v63  }
0x2d5: {  	_ = 	snop  }
0x2d6: {  	[hbm4b:s5+s4] =	stream.indirect_vreg.scatter [tilespmem:s15], [sflag:$0x2], $0x80, v4, vm0, $0xb8;
	[tilespmem:$0x14900] =	vst v63  }
0x2d7: {  	_ = 	snop  }
0x2d8: {  	[hbm4b:s3+s4] =	stream.indirect_vreg.scatter [tilespmem:s16], [sflag:$0x2], $0x80, v3, vm0, $0xb8;
	[tilespmem:$0x14900] =	vst v63  }
0x2d9: {  	_ = 	snop  }
0x2da: {  	[hbm4b:s5+s4] =	stream.indirect_vreg.scatter [tilespmem:s17], [sflag:$0x2], $0x80, v3, vm0, $0xb8;
	[tilespmem:$0x14900] =	vst v63  }
0x2db: {  	v3 =	vld [tilespmem:$0x85B0];
	_ =	sdelay $0x4  }
0x2dc: {  	v51 =	vshll.u32 v3, $0x2  }
0x2dd: {  	v3 =	vand.u32 $0x7, v3;
	v4 =	vand.u32 $0xFFFFFFE0, v51  }
0x2de: {  	v3 =	vor.u32 v3, v4  }
0x2df: {  	v4 =	vperm.xlane v3, v0;
	_ =	sdelay $0x1  }
0x2e0: {  	v4 =	vadd.s32 v1, v4;
	_ =	sdelay $0x1  }
0x2e1: {  	v3 =	vperm.xlane v3, v2;
	_ =	sdelay $0x1  }
0x2e2: {  	v3 =	vadd.s32 v1, v3  }
0x2e3: {  	[hbm4b:s3+s4] =	stream.indirect_vreg.scatter [tilespmem:s18], [sflag:$0x2], $0x80, v4, vm0, $0xb8;
	[tilespmem:$0x14900] =	vst v63  }
0x2e4: {  	_ = 	snop  }
0x2e5: {  	[hbm4b:s5+s4] =	stream.indirect_vreg.scatter [tilespmem:s19], [sflag:$0x2], $0x80, v4, vm0, $0xb8;
	[tilespmem:$0x14900] =	vst v63  }
0x2e6: {  	_ = 	snop  }
0x2e7: {  	[hbm4b:s3+s4] =	stream.indirect_vreg.scatter [tilespmem:s20], [sflag:$0x2], $0x80, v3, vm0, $0xb8;
	[tilespmem:$0x14900] =	vst v63  }
0x2e8: {  	s18 =	rddreg [dreg:$0x6]  }
0x2e9: {  	[hbm4b:s5+s4] =	stream.indirect_vreg.scatter [tilespmem:s21], [sflag:$0x2], $0x80, v3, vm0, $0xb8;
	[tilespmem:$0x14900] =	vst v63  }
0x2ea: {  	s19 =	rddreg [dreg:$0x9]  }
0x2eb: {  	[tilespmem:s19], [sflag:$0x3] =	stream.linear.gather [hbm4b:s18+s4], $0x60, $0x38;
	[tilespmem:$0x14900] =	vst v63  }
0x2ec: {  	_ =	swait.ge [sflag:s1], $0x60  }
0x2ed: {  	s20 =	rddreg [dreg:$0x7];
	[sflag:s1] =	ssyncset.done $0x0  }
0x2ee: {  	s21 =	rddreg [dreg:$0xa];
	[sflag:s1] =	ssyncadd.s32 $0xFFFFFFA0  }
0x2ef: {  	[tilespmem:s21], [sflag:$0x3] =	stream.linear.gather [hbm4b:s20+s4], $0x60, $0x38;
	[tilespmem:$0x14900] =	vst v63  }
0x2f0: {  	_ =	swait.ge [sflag:s1], $0x60  }
0x2f1: {  	[sflag:s1] =	ssyncset.done $0x0  }
0x2f2: {  	[sflag:s1] =	ssyncadd.s32 $0xFFFFFFA0  }
0x2f3: {  	v3 =	vld [tilespmem:$0x8800];
	_ =	sdelay $0x4  }
0x2f4: {  	v52 =	vshll.u32 v3, $0x2  }
0x2f5: {  	v3 =	vand.u32 $0x7, v3;
	v4 =	vand.u32 $0xFFFFFFE0, v52  }
0x2f6: {  	v3 =	vor.u32 v3, v4  }
0x2f7: {  	v4 =	vperm.xlane v3, v0;
	_ =	sdelay $0x1  }
0x2f8: {  	v4 =	vadd.s32 v1, v4;
	_ =	sdelay $0x1  }
0x2f9: {  	v3 =	vperm.xlane v3, v2;
	_ =	sdelay $0x1  }
0x2fa: {  	s2 =	simm.s32 $0x8900;
	s8 =	rddreg [dreg:$0x0];
	v3 =	vadd.s32 v1, v3  }
0x2fb: {  	[tilespmem:s2], [sflag:$0x1] =	stream.indirect_vreg.gather [hbm4b:s8+s4], $0x80, v4, vm0, $0xb8;
	[tilespmem:$0x14900] =	vst v63  }
0x2fc: {  	s24 =	simm.s32 $0x9100  }
0x2fd: {  	[tilespmem:s24], [sflag:$0x1] =	stream.indirect_vreg.gather [hbm4b:s6+s4], $0x80, v4, vm0, $0xb8;
	[tilespmem:$0x14900] =	vst v63  }
0x2fe: {  	_ = 	snop  }
0x2ff: {  	[tilespmem:s25], [sflag:$0x1] =	stream.indirect_vreg.gather [hbm4b:s8+s4], $0x80, v3, vm0, $0xb8;
	[tilespmem:$0x14900] =	vst v63  }
0x300: {  	_ = 	snop  }
0x301: {  	[tilespmem:s26], [sflag:$0x1] =	stream.indirect_vreg.gather [hbm4b:s6+s4], $0x80, v3, vm0, $0xb8;
	[tilespmem:$0x14900] =	vst v63  }
0x302: {  	v3 =	vld [tilespmem:$0x8810];
	_ =	sdelay $0x4  }
0x303: {  	v53 =	vshll.u32 v3, $0x2  }
0x304: {  	v3 =	vand.u32 $0x7, v3;
	v4 =	vand.u32 $0xFFFFFFE0, v53  }
0x305: {  	v3 =	vor.u32 v3, v4  }
0x306: {  	v4 =	vperm.xlane v3, v0;
	_ =	sdelay $0x1  }
0x307: {  	v4 =	vadd.s32 v1, v4;
	_ =	sdelay $0x1  }
0x308: {  	v3 =	vperm.xlane v3, v2;
	_ =	sdelay $0x1  }
0x309: {  	v3 =	vadd.s32 v1, v3  }
0x30a: {  	[tilespmem:s28], [sflag:$0x1] =	stream.indirect_vreg.gather [hbm4b:s8+s4], $0x80, v4, vm0, $0xb8;
	[tilespmem:$0x14900] =	vst v63  }
0x30b: {  	_ = 	snop  }
0x30c: {  	[tilespmem:s29], [sflag:$0x1] =	stream.indirect_vreg.gather [hbm4b:s6+s4], $0x80, v4, vm0, $0xb8;
	[tilespmem:$0x14900] =	vst v63  }
0x30d: {  	_ = 	snop  }
0x30e: {  	[tilespmem:s30], [sflag:$0x1] =	stream.indirect_vreg.gather [hbm4b:s8+s4], $0x80, v3, vm0, $0xb8;
	[tilespmem:$0x14900] =	vst v63  }
0x30f: {  	_ = 	snop  }
0x310: {  	[tilespmem:s31], [sflag:$0x1] =	stream.indirect_vreg.gather [hbm4b:s6+s4], $0x80, v3, vm0, $0xb8;
	[tilespmem:$0x14900] =	vst v63  }
0x311: {  	v3 =	vld [tilespmem:$0x8820];
	_ =	sdelay $0x4  }
0x312: {  	v54 =	vshll.u32 v3, $0x2  }
0x313: {  	v3 =	vand.u32 $0x7, v3;
	v4 =	vand.u32 $0xFFFFFFE0, v54  }
0x314: {  	v3 =	vor.u32 v3, v4  }
0x315: {  	v4 =	vperm.xlane v3, v0;
	_ =	sdelay $0x1  }
0x316: {  	v4 =	vadd.s32 v1, v4;
	_ =	sdelay $0x1  }
0x317: {  	v3 =	vperm.xlane v3, v2;
	_ =	sdelay $0x1  }
0x318: {  	s1 =	simm.s32 $0xC900;
	v3 =	vadd.s32 v1, v3  }
0x319: {  	[tilespmem:s1], [sflag:$0x1] =	stream.indirect_vreg.gather [hbm4b:s8+s4], $0x80, v4, vm0, $0xb8;
	[tilespmem:$0x14900] =	vst v63  }
0x31a: {  	s9 =	simm.s32 $0xD100  }
0x31b: {  	[tilespmem:s9], [sflag:$0x1] =	stream.indirect_vreg.gather [hbm4b:s6+s4], $0x80, v4, vm0, $0xb8;
	[tilespmem:$0x14900] =	vst v63  }
0x31c: {  	s10 =	simm.s32 $0xD900  }
0x31d: {  	[tilespmem:s10], [sflag:$0x1] =	stream.indirect_vreg.gather [hbm4b:s8+s4], $0x80, v3, vm0, $0xb8;
	[tilespmem:$0x14900] =	vst v63  }
0x31e: {  	s11 =	simm.s32 $0xE100  }
0x31f: {  	[tilespmem:s11], [sflag:$0x1] =	stream.indirect_vreg.gather [hbm4b:s6+s4], $0x80, v3, vm0, $0xb8;
	[tilespmem:$0x14900] =	vst v63  }
0x320: {  	v3 =	vld [tilespmem:$0x8830];
	_ =	sdelay $0x4  }
0x321: {  	v55 =	vshll.u32 v3, $0x2  }
0x322: {  	v3 =	vand.u32 $0x7, v3;
	v4 =	vand.u32 $0xFFFFFFE0, v55  }
0x323: {  	v3 =	vor.u32 v3, v4  }
0x324: {  	v4 =	vperm.xlane v3, v0;
	_ =	sdelay $0x1  }
0x325: {  	v4 =	vadd.s32 v1, v4;
	_ =	sdelay $0x1  }
0x326: {  	v3 =	vperm.xlane v3, v2;
	_ =	sdelay $0x1  }
0x327: {  	s12 =	simm.s32 $0xE900;
	v3 =	vadd.s32 v1, v3  }
0x328: {  	[tilespmem:s12], [sflag:$0x1] =	stream.indirect_vreg.gather [hbm4b:s8+s4], $0x80, v4, vm0, $0xb8;
	[tilespmem:$0x14900] =	vst v63  }
0x329: {  	s13 =	simm.s32 $0xF100  }
0x32a: {  	[tilespmem:s13], [sflag:$0x1] =	stream.indirect_vreg.gather [hbm4b:s6+s4], $0x80, v4, vm0, $0xb8;
	[tilespmem:$0x14900] =	vst v63  }
0x32b: {  	s14 =	simm.s32 $0xF900  }
0x32c: {  	[tilespmem:s14], [sflag:$0x1] =	stream.indirect_vreg.gather [hbm4b:s8+s4], $0x80, v3, vm0, $0xb8;
	[tilespmem:$0x14900] =	vst v63  }
0x32d: {  	s15 =	simm.s32 $0x10100  }
0x32e: {  	[tilespmem:s15], [sflag:$0x1] =	stream.indirect_vreg.gather [hbm4b:s6+s4], $0x80, v3, vm0, $0xb8;
	[tilespmem:$0x14900] =	vst v63  }
0x32f: {  	v3 =	vld [tilespmem:$0x8840];
	_ =	sdelay $0x4  }
0x330: {  	v56 =	vshll.u32 v3, $0x2  }
0x331: {  	v3 =	vand.u32 $0x7, v3;
	v4 =	vand.u32 $0xFFFFFFE0, v56  }
0x332: {  	v3 =	vor.u32 v3, v4  }
0x333: {  	v4 =	vperm.xlane v3, v0;
	_ =	sdelay $0x1  }
0x334: {  	v4 =	vadd.s32 v1, v4;
	_ =	sdelay $0x1  }
0x335: {  	v3 =	vperm.xlane v3, v2;
	_ =	sdelay $0x1  }
0x336: {  	s16 =	simm.s32 $0x10900;
	v3 =	vadd.s32 v1, v3  }
0x337: {  	[tilespmem:s16], [sflag:$0x1] =	stream.indirect_vreg.gather [hbm4b:s8+s4], $0x80, v4, vm0, $0xb8;
	[tilespmem:$0x14900] =	vst v63  }
0x338: {  	s17 =	simm.s32 $0x11100  }
0x339: {  	[tilespmem:s17], [sflag:$0x1] =	stream.indirect_vreg.gather [hbm4b:s6+s4], $0x80, v4, vm0, $0xb8;
	[tilespmem:$0x14900] =	vst v63  }
0x33a: {  	s18 =	simm.s32 $0x11900  }
0x33b: {  	[tilespmem:s18], [sflag:$0x1] =	stream.indirect_vreg.gather [hbm4b:s8+s4], $0x80, v3, vm0, $0xb8;
	[tilespmem:$0x14900] =	vst v63  }
0x33c: {  	s19 =	simm.s32 $0x12100  }
0x33d: {  	[tilespmem:s19], [sflag:$0x1] =	stream.indirect_vreg.gather [hbm4b:s6+s4], $0x80, v3, vm0, $0xb8;
	[tilespmem:$0x14900] =	vst v63  }
0x33e: {  	v3 =	vld [tilespmem:$0x8850];
	_ =	sdelay $0x4  }
0x33f: {  	v57 =	vshll.u32 v3, $0x2  }
0x340: {  	v3 =	vand.u32 $0x7, v3;
	v4 =	vand.u32 $0xFFFFFFE0, v57  }
0x341: {  	v3 =	vor.u32 v3, v4  }
0x342: {  	v4 =	vperm.xlane v3, v0;
	_ =	sdelay $0x1  }
0x343: {  	v4 =	vadd.s32 v1, v4;
	_ =	sdelay $0x1  }
0x344: {  	v3 =	vperm.xlane v3, v2;
	_ =	sdelay $0x1  }
0x345: {  	s20 =	simm.s32 $0x12900;
	v3 =	vadd.s32 v1, v3  }
0x346: {  	[tilespmem:s20], [sflag:$0x1] =	stream.indirect_vreg.gather [hbm4b:s8+s4], $0x80, v4, vm0, $0xb8;
	[tilespmem:$0x14900] =	vst v63  }
0x347: {  	s21 =	simm.s32 $0x13100  }
0x348: {  	[tilespmem:s21], [sflag:$0x1] =	stream.indirect_vreg.gather [hbm4b:s6+s4], $0x80, v4, vm0, $0xb8;
	[tilespmem:$0x14900] =	vst v63  }
0x349: {  	_ = 	snop  }
0x34a: {  	[tilespmem:s22], [sflag:$0x1] =	stream.indirect_vreg.gather [hbm4b:s8+s4], $0x80, v3, vm0, $0xb8;
	[tilespmem:$0x14900] =	vst v63  }
0x34b: {  	s8 =	simm.s32 $0x14100  }
0x34c: {  	[tilespmem:s8], [sflag:$0x1] =	stream.indirect_vreg.gather [hbm4b:s6+s4], $0x80, v3, vm0, $0xb8;
	[tilespmem:$0x14900] =	vst v63  }
0x34d: {  	_ =	swait.ge [sflag:s23], $0xC000  }
0x34e: {  	[sflag:s23] =	ssyncset.done $0x0  }
0x34f: {  	[sflag:s23] =	ssyncadd.s32 $0xFFFF4000  }
0x350: {  	v3 =	vld [tilespmem:$0x8880];
	_ =	sdelay $0x4  }
0x351: {  	v58 =	vshll.u32 v3, $0x2  }
0x352: {  	v3 =	vand.u32 $0x7, v3;
	v4 =	vand.u32 $0xFFFFFFE0, v58  }
0x353: {  	v3 =	vor.u32 v3, v4  }
0x354: {  	v4 =	vperm.xlane v3, v0;
	_ =	sdelay $0x1  }
0x355: {  	v4 =	vadd.s32 v1, v4;
	_ =	sdelay $0x1  }
0x356: {  	v3 =	vperm.xlane v3, v2;
	_ =	sdelay $0x1  }
0x357: {  	v3 =	vadd.s32 v1, v3  }
0x358: {  	[hbm4b:s3+s4] =	stream.indirect_vreg.scatter [tilespmem:s2], [sflag:$0x1], $0x80, v4, vm0, $0xb8;
	[tilespmem:$0x14900] =	vst v63  }
0x359: {  	_ = 	snop  }
0x35a: {  	[hbm4b:s5+s4] =	stream.indirect_vreg.scatter [tilespmem:s24], [sflag:$0x1], $0x80, v4, vm0, $0xb8;
	[tilespmem:$0x14900] =	vst v63  }
0x35b: {  	_ = 	snop  }
0x35c: {  	[hbm4b:s3+s4] =	stream.indirect_vreg.scatter [tilespmem:s25], [sflag:$0x1], $0x80, v3, vm0, $0xb8;
	[tilespmem:$0x14900] =	vst v63  }
0x35d: {  	_ = 	snop  }
0x35e: {  	[hbm4b:s5+s4] =	stream.indirect_vreg.scatter [tilespmem:s26], [sflag:$0x1], $0x80, v3, vm0, $0xb8;
	[tilespmem:$0x14900] =	vst v63  }
0x35f: {  	v3 =	vld [tilespmem:$0x8890];
	_ =	sdelay $0x4  }
0x360: {  	v59 =	vshll.u32 v3, $0x2  }
0x361: {  	v3 =	vand.u32 $0x7, v3;
	v4 =	vand.u32 $0xFFFFFFE0, v59  }
0x362: {  	v3 =	vor.u32 v3, v4  }
0x363: {  	v4 =	vperm.xlane v3, v0;
	_ =	sdelay $0x1  }
0x364: {  	v4 =	vadd.s32 v1, v4;
	_ =	sdelay $0x1  }
0x365: {  	v3 =	vperm.xlane v3, v2;
	_ =	sdelay $0x1  }
0x366: {  	v3 =	vadd.s32 v1, v3  }
0x367: {  	[hbm4b:s3+s4] =	stream.indirect_vreg.scatter [tilespmem:s28], [sflag:$0x1], $0x80, v4, vm0, $0xb8;
	[tilespmem:$0x14900] =	vst v63  }
0x368: {  	_ = 	snop  }
0x369: {  	[hbm4b:s5+s4] =	stream.indirect_vreg.scatter [tilespmem:s29], [sflag:$0x1], $0x80, v4, vm0, $0xb8;
	[tilespmem:$0x14900] =	vst v63  }
0x36a: {  	_ = 	snop  }
0x36b: {  	[hbm4b:s3+s4] =	stream.indirect_vreg.scatter [tilespmem:s30], [sflag:$0x1], $0x80, v3, vm0, $0xb8;
	[tilespmem:$0x14900] =	vst v63  }
0x36c: {  	_ = 	snop  }
0x36d: {  	[hbm4b:s5+s4] =	stream.indirect_vreg.scatter [tilespmem:s31], [sflag:$0x1], $0x80, v3, vm0, $0xb8;
	[tilespmem:$0x14900] =	vst v63  }
0x36e: {  	v3 =	vld [tilespmem:$0x88A0];
	_ =	sdelay $0x4  }
0x36f: {  	v60 =	vshll.u32 v3, $0x2  }
0x370: {  	v3 =	vand.u32 $0x7, v3;
	v4 =	vand.u32 $0xFFFFFFE0, v60  }
0x371: {  	v3 =	vor.u32 v3, v4  }
0x372: {  	v4 =	vperm.xlane v3, v0;
	_ =	sdelay $0x1  }
0x373: {  	v4 =	vadd.s32 v1, v4;
	_ =	sdelay $0x1  }
0x374: {  	v3 =	vperm.xlane v3, v2;
	_ =	sdelay $0x1  }
0x375: {  	v3 =	vadd.s32 v1, v3  }
0x376: {  	[hbm4b:s3+s4] =	stream.indirect_vreg.scatter [tilespmem:s1], [sflag:$0x1], $0x80, v4, vm0, $0xb8;
	[tilespmem:$0x14900] =	vst v63  }
0x377: {  	_ = 	snop  }
0x378: {  	[hbm4b:s5+s4] =	stream.indirect_vreg.scatter [tilespmem:s9], [sflag:$0x1], $0x80, v4, vm0, $0xb8;
	[tilespmem:$0x14900] =	vst v63  }
0x379: {  	_ = 	snop  }
0x37a: {  	[hbm4b:s3+s4] =	stream.indirect_vreg.scatter [tilespmem:s10], [sflag:$0x1], $0x80, v3, vm0, $0xb8;
	[tilespmem:$0x14900] =	vst v63  }
0x37b: {  	_ = 	snop  }
0x37c: {  	[hbm4b:s5+s4] =	stream.indirect_vreg.scatter [tilespmem:s11], [sflag:$0x1], $0x80, v3, vm0, $0xb8;
	[tilespmem:$0x14900] =	vst v63  }
0x37d: {  	v3 =	vld [tilespmem:$0x88B0];
	_ =	sdelay $0x4  }
0x37e: {  	v61 =	vshll.u32 v3, $0x2  }
0x37f: {  	v3 =	vand.u32 $0x7, v3;
	v4 =	vand.u32 $0xFFFFFFE0, v61  }
0x380: {  	v3 =	vor.u32 v3, v4  }
0x381: {  	v4 =	vperm.xlane v3, v0;
	_ =	sdelay $0x1  }
0x382: {  	v4 =	vadd.s32 v1, v4;
	_ =	sdelay $0x1  }
0x383: {  	v3 =	vperm.xlane v3, v2;
	_ =	sdelay $0x1  }
0x384: {  	v3 =	vadd.s32 v1, v3  }
0x385: {  	[hbm4b:s3+s4] =	stream.indirect_vreg.scatter [tilespmem:s12], [sflag:$0x1], $0x80, v4, vm0, $0xb8;
	[tilespmem:$0x14900] =	vst v63  }
0x386: {  	_ = 	snop  }
0x387: {  	[hbm4b:s5+s4] =	stream.indirect_vreg.scatter [tilespmem:s13], [sflag:$0x1], $0x80, v4, vm0, $0xb8;
	[tilespmem:$0x14900] =	vst v63  }
0x388: {  	_ = 	snop  }
0x389: {  	[hbm4b:s3+s4] =	stream.indirect_vreg.scatter [tilespmem:s14], [sflag:$0x1], $0x80, v3, vm0, $0xb8;
	[tilespmem:$0x14900] =	vst v63  }
0x38a: {  	_ = 	snop  }
0x38b: {  	[hbm4b:s5+s4] =	stream.indirect_vreg.scatter [tilespmem:s15], [sflag:$0x1], $0x80, v3, vm0, $0xb8;
	[tilespmem:$0x14900] =	vst v63  }
0x38c: {  	v3 =	vld [tilespmem:$0x88C0];
	_ =	sdelay $0x4  }
0x38d: {  	v62 =	vshll.u32 v3, $0x2  }
0x38e: {  	v3 =	vand.u32 $0x7, v3;
	v4 =	vand.u32 $0xFFFFFFE0, v62  }
0x38f: {  	v3 =	vor.u32 v3, v4  }
0x390: {  	v4 =	vperm.xlane v3, v0;
	_ =	sdelay $0x1  }
0x391: {  	v4 =	vadd.s32 v1, v4;
	_ =	sdelay $0x1  }
0x392: {  	v3 =	vperm.xlane v3, v2;
	_ =	sdelay $0x1  }
0x393: {  	v3 =	vadd.s32 v1, v3  }
0x394: {  	[hbm4b:s3+s4] =	stream.indirect_vreg.scatter [tilespmem:s16], [sflag:$0x1], $0x80, v4, vm0, $0xb8;
	[tilespmem:$0x14900] =	vst v63  }
0x395: {  	_ = 	snop  }
0x396: {  	[hbm4b:s5+s4] =	stream.indirect_vreg.scatter [tilespmem:s17], [sflag:$0x1], $0x80, v4, vm0, $0xb8;
	[tilespmem:$0x14900] =	vst v63  }
0x397: {  	_ = 	snop  }
0x398: {  	[hbm4b:s3+s4] =	stream.indirect_vreg.scatter [tilespmem:s18], [sflag:$0x1], $0x80, v3, vm0, $0xb8;
	[tilespmem:$0x14900] =	vst v63  }
0x399: {  	_ = 	snop  }
0x39a: {  	[hbm4b:s5+s4] =	stream.indirect_vreg.scatter [tilespmem:s19], [sflag:$0x1], $0x80, v3, vm0, $0xb8;
	[tilespmem:$0x14900] =	vst v63  }
0x39b: {  	v3 =	vld [tilespmem:$0x88D0];
	_ =	sdelay $0x4  }
0x39c: {  	v63 =	vshll.u32 v3, $0x2  }
0x39d: {  	v3 =	vand.u32 $0x7, v3;
	v4 =	vand.u32 $0xFFFFFFE0, v63  }
0x39e: {  	v3 =	vor.u32 v3, v4  }
0x39f: {  	v4 =	vperm.xlane v3, v0;
	_ =	sdelay $0x1  }
0x3a0: {  	v4 =	vadd.s32 v1, v4;
	_ =	sdelay $0x1  }
0x3a1: {  	v3 =	vperm.xlane v3, v2;
	_ =	sdelay $0x1  }
0x3a2: {  	v3 =	vadd.s32 v1, v3  }
0x3a3: {  	[hbm4b:s3+s4] =	stream.indirect_vreg.scatter [tilespmem:s20], [sflag:$0x1], $0x80, v4, vm0, $0xb8;
	[tilespmem:$0x14900] =	vst v63  }
0x3a4: {  	_ = 	snop  }
0x3a5: {  	[hbm4b:s5+s4] =	stream.indirect_vreg.scatter [tilespmem:s21], [sflag:$0x1], $0x80, v4, vm0, $0xb8;
	[tilespmem:$0x14900] =	vst v63  }
0x3a6: {  	_ = 	snop  }
0x3a7: {  	[hbm4b:s3+s4] =	stream.indirect_vreg.scatter [tilespmem:s22], [sflag:$0x1], $0x80, v3, vm0, $0xb8;
	[tilespmem:$0x14900] =	vst v63  }
0x3a8: {  	_ = 	snop  }
0x3a9: {  	[hbm4b:s5+s4] =	stream.indirect_vreg.scatter [tilespmem:s8], [sflag:$0x1], $0x80, v3, vm0, $0xb8;
	[tilespmem:$0x14900] =	vst v63  }
0x3aa: {  	_ =	swait.ge [sflag:s23], $0xC000  }
0x3ab: {  	[sflag:s23] =	ssyncset.done $0x0  }
0x3ac: {  	[sflag:s23] =	ssyncadd.s32 $0xFFFF4000  }
0x3ad: {  	_ =	swait.ge [sflag:s0], $0x8000  }
0x3ae: {  	[sflag:s0] =	ssyncset.done $0x0  }
0x3af: {  	[sflag:s0] =	ssyncadd.s32 $0xFFFF8000  }
0x3b0: {  	_ =	swait.ge [sflag:s0], $0x8000  }
0x3b1: {  	[sflag:s0] =	ssyncset.done $0x0  }
0x3b2: {  	[sflag:s0] =	ssyncadd.s32 $0xFFFF8000  }
0x3b3: {  	_ =	swait.ge [sflag:s0], $0x8000  }
0x3b4: {  	[sflag:s0] =	ssyncset.done $0x0  }
0x3b5: {  	[sflag:s0] =	ssyncadd.s32 $0xFFFF8000  }
0x3b6: {  	_ =	swait.ge [sflag:s0], $0x8000  }
0x3b7: {  	[sflag:s0] =	ssyncset.done $0x0  }
0x3b8: {  	[sflag:s0] =	ssyncadd.s32 $0xFFFF8000  }
0x3b9: {  	_ =	swait.ge [sflag:s0], $0x8000  }
0x3ba: {  	[sflag:s0] =	ssyncset.done $0x0  }
0x3bb: {  	[sflag:s0] =	ssyncadd.s32 $0xFFFF8000  }
0x3bc: {  	_ =	swait.ge [sflag:s0], $0x8000  }
0x3bd: {  	[sflag:s0] =	ssyncset.done $0x0  }
0x3be: {  	[sflag:s0] =	ssyncadd.s32 $0xFFFF8000  }
0x3bf: {  	_ =	swait.ge [sflag:s0], $0x8000  }
0x3c0: {  	[sflag:s0] =	ssyncset.done $0x0  }
0x3c1: {  	[sflag:s0] =	ssyncadd.s32 $0xFFFF8000  }
0x3c2: {  	_ =	swait.ge [sflag:s0], $0x8000  }
0x3c3: {  	[sflag:s0] =	ssyncset.done $0x0  }
0x3c4: {  	[sflag:s0] =	ssyncadd.s32 $0xFFFF8000  }
0x3c5: {  	_ =	swait.ge [sflag:s0], $0x8000  }
0x3c6: {  	[sflag:s0] =	ssyncset.done $0x0  }
0x3c7: {  	[sflag:s0] =	ssyncadd.s32 $0xFFFF8000  }
0x3c8: {  	_ =	swait.ge [sflag:s0], $0x8000  }
0x3c9: {  	[sflag:s0] =	ssyncset.done $0x0  }
0x3ca: {  	[sflag:s0] =	ssyncadd.s32 $0xFFFF8000  }
0x3cb: {  	p0 =	sne.s32 s7, $0x1;
	_ =	swait.ge [sflag:s0], $0x8000  }
.Ltmp0:
0x3cc: {  	[sflag:s0] =	ssyncset.done $0x0;
	(pc) =	sbr.rel @p0 .LBB2_1-.Ltmp0, $4  }
0x3cd: {  	[sflag:s0] =	ssyncadd.s32 $0xFFFF8000  }
0x3ce: {  	_ =	swait.ge [sflag:s0], $0x8000  }
0x3cf: {  	[sflag:s0] =	ssyncset.done $0x0  }
0x3d0: {  	s7 =	sadd.s32 $0xFFFFFFFF, s7;
	[sflag:s0] =	ssyncadd.s32 $0xFFFF8000  }
0x3d1: {  	_ =	sfence.sel $0x180000  }
0x3d2: {  	[bflag:$0x0] =	sbarrier.arrive $0xFFFF  }
0x3d3: {  	_ =	strace $0x9000004A  }
0x3d4: {  	s0 =	stileid.u32;
	[bflag:$0x2] =	sbarrier.arrive $0xFFFF  }
0x3d5: {  	p0 =	sne.s32 s0, $0x0;
	s0 =	rddreg [dreg:$0x3]  }
0x3d6: {  	s0 =	sadd.s32 @!p0 $0x100000, s0  }
0x3d7: {  	[sflag:s0] =	ssyncadd.tile.s32 @!p0 $0x1;
	_ =	shalt  }
.Lfunc_end2:
_tile_overlayer_lowered:
.L_overlay_start_2:
0x3d8: {  	(tag) =	ssettag $0x2  }
0x3d9: {  	s0 =	rddreg [dreg:$0x0];
	s2 =	stileid.u32  }
0x3da: {  	s1 =	rddreg [dreg:$0x1];
	p0 =	sne.s32 s2, $0x0  }
0x3db: {  	s3 =	rddreg [dreg:$0x2];
	[bflag:$0x3] =	sbarrier.arrive $0xFFFF;
	s2 =	simm.s32 @!p0 $0x1C03  }
0x3dc: {  	[timem:s3], [sflag:s2] =	dma.local @!p0 [hbm:s0], s1  }
0x3dd: {  	s0 =	simm.s32 @!p0 $0x3  }
0x3de: {  	_ =	swait.ge @!p0 [sflag:s0], s1  }
0x3df: {  	s1 =	ssub.s32 @!p0 $0x0, s1;
	[sflag:s0] =	ssyncset.done @!p0 $0x0  }
0x3e0: {  	[sflag:s0] =	ssyncadd.s32 @!p0 s1  }
0x3e1: {  	[bflag:$0x3] =	sbarrier.arrive $0xFFFF  }
0x3e2: {  	_ =	shalt  }

</sc_bundles>
